<compile_context>
chip_gen: v7x
topology: tpu7x:2x2x1
jax: 0.10.2.dev20260603
libtpu: 0.0.44.dev20260713+nightly
codegen_flags: <defaults>
</compile_context>

<pallas_src>
import functools

import jax
import jax.numpy as jnp
from jax import lax
from jax.experimental import pallas as pl
from jax.experimental.pallas import tpu as pltpu
from jax.experimental.pallas import tpu_sc as plsc

N_USERS = 585
N_ITEMS = 88
N_NODES = 673
N_EDGES = 4680
D_FEAT = 128
NU_PAD = 592
NI_PAD = 128
FLAT = NU_PAD * NI_PAD
SENTINEL = FLAT - 1

NC = 1
NS = 16
NWORK = 15
EPT = N_EDGES // NWORK
CHUNK = 80
NCHUNK = 4
ZS = FLAT // NS


def _sc_build_adj_body(src_hbm, dst_hbm, out_hbm,
                       ed_v, idx_v, ones_v, zbuf_v, acc_sh, sem):
    s = lax.axis_index("s")
    wid = s * NC + lax.axis_index("c")
    DOFF = NCHUNK * CHUNK

    @pl.when(wid < NWORK)
    def _stage():
        pltpu.async_copy(src_hbm.at[pl.ds(wid * EPT, EPT)],
                         ed_v.at[pl.ds(0, EPT)], sem)
        pltpu.async_copy(dst_hbm.at[pl.ds(wid * EPT, EPT)],
                         ed_v.at[pl.ds(DOFF, EPT)], sem)

    def fill_zeros(i, carry):
        for j in range(8):
            zbuf_v[pl.ds((i * 8 + j) * 16, 16)] = jnp.zeros((16,), jnp.float32)
        return carry

    lax.fori_loop(0, ZS // (16 * 8), fill_zeros, 0)
    pltpu.async_copy(zbuf_v, acc_sh.at[pl.ds(s * ZS, ZS)], sem)

    for j in range(NCHUNK):
        for i in range(CHUNK // 16):
            ones_v[j, pl.ds(i * 16, 16)] = jnp.ones((16,), jnp.float32)

    zero_cp = pltpu.make_async_copy(zbuf_v, acc_sh.at[pl.ds(s * ZS, ZS)], sem)

    @pl.when(wid < NWORK)
    def _index():
        pltpu.make_async_copy(src_hbm.at[pl.ds(wid * EPT, EPT)],
                              ed_v.at[pl.ds(0, EPT)], sem).wait()
        pltpu.make_async_copy(dst_hbm.at[pl.ds(wid * EPT, EPT)],
                              ed_v.at[pl.ds(DOFF, EPT)], sem).wait()
        zero_cp.wait()
        lanes = lax.iota(jnp.int32, 16)
        for j in range(NCHUNK):
            for i in range(CHUNK // 16):
                base = j * CHUNK + i * 16
                f = (ed_v[pl.ds(base, 16)] * NI_PAD
                     + ed_v[pl.ds(DOFF + base, 16)] + 1)
                if base + 16 > EPT:
                    f = jnp.where(lanes < EPT - base, f, SENTINEL)
                idx_v[j, pl.ds(i * 16, 16)] = f

    @pl.when(wid >= NWORK)
    def _wait_zero_only():
        zero_cp.wait()

    plsc.subcore_barrier()

    @pl.when(wid < NWORK)
    def _scatter():
        handles = [
            pltpu.async_copy(ones_v.at[j], acc_sh.at[idx_v.at[j]], sem,
                             add=True)
            for j in range(NCHUNK)
        ]
        for h in handles:
            h.wait()

    plsc.subcore_barrier()

    pltpu.sync_copy(acc_sh.at[pl.ds(s * ZS, ZS)], out_hbm.at[pl.ds(s * ZS, ZS)])


@functools.cache
def _get_sc_build_adj():
    mesh = plsc.VectorSubcoreMesh(
        core_axis_name="c", subcore_axis_name="s", num_cores=NC, num_subcores=NS
    )
    nslot = NCHUNK * CHUNK
    return pl.kernel(
        _sc_build_adj_body,
        out_type=jax.ShapeDtypeStruct((FLAT,), jnp.float32),
        mesh=mesh,
        scratch_types=[
            pltpu.VMEM((2 * nslot,), jnp.int32),
            pltpu.VMEM((NCHUNK, CHUNK), jnp.int32),
            pltpu.VMEM((NCHUNK, CHUNK), jnp.float32),
            pltpu.VMEM((ZS,), jnp.float32),
            pltpu.VMEM_SHARED((FLAT,), jnp.float32),
            pltpu.SemaphoreType.DMA,
        ],
    )


def _tc_gcn_body(b_ref, x_ref, out_ref):
    b = b_ref[...]
    du = jnp.sum(b, axis=1, keepdims=True)
    di = jnp.sum(b, axis=0, keepdims=True)
    bn = b * (lax.rsqrt(du + 1e-8) * lax.rsqrt(di + 1e-8))

    x = x_ref[...]
    xu0 = x[0:NU_PAD]
    xi0 = jnp.concatenate(
        [x[584:N_NODES], jnp.zeros((NI_PAD - (N_NODES - 584), D_FEAT),
                                   jnp.float32)], axis=0)

    def mm(m, v):
        return lax.dot_general(
            m, v, (((1,), (0,)), ((), ())),
            preferred_element_type=jnp.float32,
            precision=lax.Precision.DEFAULT,
        )

    def mmT(m, v):
        return lax.dot_general(
            m, v, (((0,), (0,)), ((), ())),
            preferred_element_type=jnp.float32,
            precision=lax.Precision.DEFAULT,
        )

    xu1, xi1 = mm(bn, xi0), mmT(bn, xu0)
    xu2, xi2 = mm(bn, xi1), mmT(bn, xu1)
    xu3, xi3 = mm(bn, xi2), mmT(bn, xu2)
    ou = 0.25 * (xu0 + xu1 + xu2 + xu3)
    oi = 0.25 * (xi0 + xi1 + xi2 + xi3)
    out_ref[...] = jnp.concatenate(
        [ou[0:N_USERS], oi[1:1 + N_ITEMS]], axis=0)


_tc_gcn = pl.pallas_call(
    _tc_gcn_body,
    out_shape=jax.ShapeDtypeStruct((N_NODES, D_FEAT), jnp.float32),
)


def kernel(features, edge_src, edge_dst):
    b_flat = _get_sc_build_adj()(edge_src.astype(jnp.int32),
                                 edge_dst.astype(jnp.int32))
    return _tc_gcn(b_flat.reshape(NU_PAD, NI_PAD), features)

# --- scband reference (transcript-rebuilt; emitter-appended) ---
"""Pipeline reference for scband-meta-cda-69793218560048 (READ-ONLY COPY).

The authoritative reference and input builder live on the scoring server;
editing this copy changes nothing except your own understanding.
"""

import jax, jax.numpy as jnp
import numpy as np

N_U = 585
N_I = 88
N = N_U + N_I
D = 128
N_EDGES = 4680
N_LAYERS = 3

def setup_inputs(seed: int = 0) -> dict:
    key = jax.random.key(seed)
    k1, k2, k3 = jax.random.split(key, 3)
    features = jax.random.normal(k1, (N, D), dtype=jnp.float32)
    edge_src = jax.random.randint(k2, (N_EDGES,), 0, N_U, dtype=jnp.int32)
    edge_dst = jax.random.randint(k3, (N_EDGES,), 0, N_I, dtype=jnp.int32)
    return {"features": features, "edge_src": edge_src, "edge_dst": edge_dst}

def reference(features, edge_src, edge_dst):
    # Build symmetric bipartite user-item adjacency (585 users, 88 items) as in metaCDA.__init__ / build_sparse_graph
    row = jnp.concatenate([edge_src, edge_dst + N_U]).astype(jnp.int32)
    col = jnp.concatenate([edge_dst + N_U, edge_src]).astype(jnp.int32)
    vals = jnp.ones(row.shape[0], dtype=jnp.float32)
    # GCN_layer.normalize_adj: symmetric D^-1/2 A D^-1/2 with eps=1e-8
    deg = jnp.zeros((N,), jnp.float32).at[row].add(vals)
    d_inv_sqrt = jnp.power(deg + 1e-8, -0.5)
    d_inv_sqrt = jnp.where(jnp.isinf(d_inv_sqrt), 0.0, d_inv_sqrt)
    norm_vals = d_inv_sqrt[row] * vals * d_inv_sqrt[col]
    # Stack of LayerNums=3 GCN_layer encoders: out = spmm(norm_adj, x), index covers all nodes so
    # new_features == out_features (no residual rows replaced)
    x = features
    all_embs = [x]
    for _ in range(N_LAYERS):
        gathered = norm_vals[:, None] * x[col]
        x = jnp.zeros((N, D), jnp.float32).at[row].add(gathered)
        all_embs.append(x)
    out = jnp.mean(jnp.stack(all_embs, axis=0), axis=0)
    return out

if __name__ == "__main__":
    import jax
    _d = setup_inputs()
    print(jax.jit(kernel)(*tuple(_d.values())))

</pallas_src>

<mosaic_0001>
#map = affine_map<(d0, d1) -> (0)>
module attributes {stable_mosaic.version = 14 : i64} {
  func.func @_sc_build_adj_body(%arg0: i32, %arg1: i32, %arg2: memref<4680xi32, #tpu.memory_space<hbm>>, %arg3: memref<4680xi32, #tpu.memory_space<hbm>>, %arg4: memref<75776xf32, #tpu.memory_space<hbm>>, %arg5: memref<640xi32, #tpu.memory_space<vmem>>, %arg6: memref<4x80xi32, #tpu.memory_space<vmem>>, %arg7: memref<4x80xf32, #tpu.memory_space<vmem>>, %arg8: memref<4736xf32, #tpu.memory_space<vmem>>, %arg9: memref<75776xf32, #tpu.memory_space<vmem_shared>>, %arg10: memref<!tpu.dma_semaphore, #tpu.memory_space<semaphore_mem>>) attributes {dimension_semantics = [#tpu.dimension_semantics<core_parallel>, #tpu.dimension_semantics<subcore_parallel>], iteration_bounds = array<i64: 1, 16>, scalar_prefetch = 0 : i64, scratch_operands = 6 : i64, tpu.core_type = #tpu.core_type<sc_vector_subcore>, window_params = [{transform_indices = #map}, {transform_indices = #map}, {transform_indices = #map}]} {
    %mul3A = arith.constant 1 : i32
    %mul3A_0 = arith.muli %arg1, %mul3A : i32
    %add3A = arith.addi %mul3A_0, %arg0 : i32
    %lt3A = arith.constant 15 : i32
    %lt3A_1 = arith.cmpi slt, %add3A, %lt3A : i32
    %convert_element_type3A = arith.extui %lt3A_1 : i1 to i32
    %cond3A = arith.constant 0 : i32
    %cond3A_2 = arith.cmpi ne, %convert_element_type3A, %cond3A : i32
    scf.if %cond3A_2 {
      %mul3A_190 = arith.constant 312 : i32
      %mul3A_191 = arith.muli %add3A, %mul3A_190 : i32
      %dma_start3A_192 = arith.constant 0 : i32
      %dma_start3A_193 = tpu.memref_slice %arg5[%dma_start3A_192] : memref<640xi32, #tpu.memory_space<vmem>> -> memref<312xi32, #tpu.memory_space<vmem>>
      %dma_start3A_194 = tpu.memref_slice %arg2[%mul3A_191] : memref<4680xi32, #tpu.memory_space<hbm>> -> memref<312xi32, #tpu.memory_space<hbm>>
      %dma_start3A_195 = arith.constant 0 : i32
      %dma_start3A_196 = tpu.memref_slice %arg5[%dma_start3A_195] : memref<640xi32, #tpu.memory_space<vmem>> -> memref<312xi32, #tpu.memory_space<vmem>>
      %dma_start3A_197 = tpu.memref_slice %arg2[%mul3A_191] : memref<4680xi32, #tpu.memory_space<hbm>> -> memref<312xi32, #tpu.memory_space<hbm>>
      tpu.enqueue_dma source(%dma_start3A_197 : memref<312xi32, #tpu.memory_space<hbm>>) target(%dma_start3A_196 : memref<312xi32, #tpu.memory_space<vmem>>) target_semaphore(%arg10 : memref<!tpu.dma_semaphore, #tpu.memory_space<semaphore_mem>>)
      %mul3A_198 = arith.constant 312 : i32
      %mul3A_199 = arith.muli %add3A, %mul3A_198 : i32
      %dma_start3A_200 = arith.constant 320 : i32
      %dma_start3A_201 = tpu.memref_slice %arg5[%dma_start3A_200] : memref<640xi32, #tpu.memory_space<vmem>> -> memref<312xi32, #tpu.memory_space<vmem>>
      %dma_start3A_202 = tpu.memref_slice %arg3[%mul3A_199] : memref<4680xi32, #tpu.memory_space<hbm>> -> memref<312xi32, #tpu.memory_space<hbm>>
      %dma_start3A_203 = arith.constant 320 : i32
      %dma_start3A_204 = tpu.memref_slice %arg5[%dma_start3A_203] : memref<640xi32, #tpu.memory_space<vmem>> -> memref<312xi32, #tpu.memory_space<vmem>>
      %dma_start3A_205 = tpu.memref_slice %arg3[%mul3A_199] : memref<4680xi32, #tpu.memory_space<hbm>> -> memref<312xi32, #tpu.memory_space<hbm>>
      tpu.enqueue_dma source(%dma_start3A_205 : memref<312xi32, #tpu.memory_space<hbm>>) target(%dma_start3A_204 : memref<312xi32, #tpu.memory_space<vmem>>) target_semaphore(%arg10 : memref<!tpu.dma_semaphore, #tpu.memory_space<semaphore_mem>>)
    } else {
    }
    %scan3A = arith.constant 0 : i32
    %scan3A_3 = arith.constant 0 : i32
    %scan3A_4 = arith.constant 37 : i32
    %scan3A_5 = arith.addi %scan3A_3, %scan3A_4 : i32
    %scan3A_6 = arith.constant 1 : i32
    scf.for %scan3A_190 = %scan3A_3 to %scan3A_5 step %scan3A_6  : i32 {
      %broadcast_in_dim3A_191 = arith.constant 0.000000e+00 : f32
      %broadcast_in_dim3A_192 = vector.broadcast %broadcast_in_dim3A_191 : f32 to vector<16xf32>
      %mul3A_193 = arith.constant 8 : i32
      %mul3A_194 = arith.muli %scan3A_190, %mul3A_193 : i32
      %add3A_195 = arith.constant 0 : i32
      %add3A_196 = arith.addi %mul3A_194, %add3A_195 : i32
      %mul3A_197 = arith.constant 16 : i32
      %mul3A_198 = arith.muli %add3A_196, %mul3A_197 : i32
      %swap3A_199 = arith.index_cast %mul3A_198 : i32 to index
      %swap3A_200 = tpu.vector_load %arg8[%swap3A_199] {strides = array<i32>} : memref<4736xf32, #tpu.memory_space<vmem>>, vector<16xf32>,
      %swap3A_201 = vector.shape_cast %swap3A_200 : vector<16xf32> to vector<16xf32>
      %swap3A_202 = vector.shape_cast %broadcast_in_dim3A_192 : vector<16xf32> to vector<16xf32>
      tpu.vector_store %arg8[%swap3A_199], %swap3A_202 {strides = array<i32>} : memref<4736xf32, #tpu.memory_space<vmem>>, vector<16xf32>,
      %broadcast_in_dim3A_203 = arith.constant 0.000000e+00 : f32
      %broadcast_in_dim3A_204 = vector.broadcast %broadcast_in_dim3A_203 : f32 to vector<16xf32>
      %mul3A_205 = arith.constant 8 : i32
      %mul3A_206 = arith.muli %scan3A_190, %mul3A_205 : i32
      %add3A_207 = arith.constant 1 : i32
      %add3A_208 = arith.addi %mul3A_206, %add3A_207 : i32
      %mul3A_209 = arith.constant 16 : i32
      %mul3A_210 = arith.muli %add3A_208, %mul3A_209 : i32
      %swap3A_211 = arith.index_cast %mul3A_210 : i32 to index
      %swap3A_212 = tpu.vector_load %arg8[%swap3A_211] {strides = array<i32>} : memref<4736xf32, #tpu.memory_space<vmem>>, vector<16xf32>,
      %swap3A_213 = vector.shape_cast %swap3A_212 : vector<16xf32> to vector<16xf32>
      %swap3A_214 = vector.shape_cast %broadcast_in_dim3A_204 : vector<16xf32> to vector<16xf32>
      tpu.vector_store %arg8[%swap3A_211], %swap3A_214 {strides = array<i32>} : memref<4736xf32, #tpu.memory_space<vmem>>, vector<16xf32>,
      %broadcast_in_dim3A_215 = arith.constant 0.000000e+00 : f32
      %broadcast_in_dim3A_216 = vector.broadcast %broadcast_in_dim3A_215 : f32 to vector<16xf32>
      %mul3A_217 = arith.constant 8 : i32
      %mul3A_218 = arith.muli %scan3A_190, %mul3A_217 : i32
      %add3A_219 = arith.constant 2 : i32
      %add3A_220 = arith.addi %mul3A_218, %add3A_219 : i32
      %mul3A_221 = arith.constant 16 : i32
      %mul3A_222 = arith.muli %add3A_220, %mul3A_221 : i32
      %swap3A_223 = arith.index_cast %mul3A_222 : i32 to index
      %swap3A_224 = tpu.vector_load %arg8[%swap3A_223] {strides = array<i32>} : memref<4736xf32, #tpu.memory_space<vmem>>, vector<16xf32>,
      %swap3A_225 = vector.shape_cast %swap3A_224 : vector<16xf32> to vector<16xf32>
      %swap3A_226 = vector.shape_cast %broadcast_in_dim3A_216 : vector<16xf32> to vector<16xf32>
      tpu.vector_store %arg8[%swap3A_223], %swap3A_226 {strides = array<i32>} : memref<4736xf32, #tpu.memory_space<vmem>>, vector<16xf32>,
      %broadcast_in_dim3A_227 = arith.constant 0.000000e+00 : f32
      %broadcast_in_dim3A_228 = vector.broadcast %broadcast_in_dim3A_227 : f32 to vector<16xf32>
      %mul3A_229 = arith.constant 8 : i32
      %mul3A_230 = arith.muli %scan3A_190, %mul3A_229 : i32
      %add3A_231 = arith.constant 3 : i32
      %add3A_232 = arith.addi %mul3A_230, %add3A_231 : i32
      %mul3A_233 = arith.constant 16 : i32
      %mul3A_234 = arith.muli %add3A_232, %mul3A_233 : i32
      %swap3A_235 = arith.index_cast %mul3A_234 : i32 to index
      %swap3A_236 = tpu.vector_load %arg8[%swap3A_235] {strides = array<i32>} : memref<4736xf32, #tpu.memory_space<vmem>>, vector<16xf32>,
      %swap3A_237 = vector.shape_cast %swap3A_236 : vector<16xf32> to vector<16xf32>
      %swap3A_238 = vector.shape_cast %broadcast_in_dim3A_228 : vector<16xf32> to vector<16xf32>
      tpu.vector_store %arg8[%swap3A_235], %swap3A_238 {strides = array<i32>} : memref<4736xf32, #tpu.memory_space<vmem>>, vector<16xf32>,
      %broadcast_in_dim3A_239 = arith.constant 0.000000e+00 : f32
      %broadcast_in_dim3A_240 = vector.broadcast %broadcast_in_dim3A_239 : f32 to vector<16xf32>
      %mul3A_241 = arith.constant 8 : i32
      %mul3A_242 = arith.muli %scan3A_190, %mul3A_241 : i32
      %add3A_243 = arith.constant 4 : i32
      %add3A_244 = arith.addi %mul3A_242, %add3A_243 : i32
      %mul3A_245 = arith.constant 16 : i32
      %mul3A_246 = arith.muli %add3A_244, %mul3A_245 : i32
      %swap3A_247 = arith.index_cast %mul3A_246 : i32 to index
      %swap3A_248 = tpu.vector_load %arg8[%swap3A_247] {strides = array<i32>} : memref<4736xf32, #tpu.memory_space<vmem>>, vector<16xf32>,
      %swap3A_249 = vector.shape_cast %swap3A_248 : vector<16xf32> to vector<16xf32>
      %swap3A_250 = vector.shape_cast %broadcast_in_dim3A_240 : vector<16xf32> to vector<16xf32>
      tpu.vector_store %arg8[%swap3A_247], %swap3A_250 {strides = array<i32>} : memref<4736xf32, #tpu.memory_space<vmem>>, vector<16xf32>,
      %broadcast_in_dim3A_251 = arith.constant 0.000000e+00 : f32
      %broadcast_in_dim3A_252 = vector.broadcast %broadcast_in_dim3A_251 : f32 to vector<16xf32>
      %mul3A_253 = arith.constant 8 : i32
      %mul3A_254 = arith.muli %scan3A_190, %mul3A_253 : i32
      %add3A_255 = arith.constant 5 : i32
      %add3A_256 = arith.addi %mul3A_254, %add3A_255 : i32
      %mul3A_257 = arith.constant 16 : i32
      %mul3A_258 = arith.muli %add3A_256, %mul3A_257 : i32
      %swap3A_259 = arith.index_cast %mul3A_258 : i32 to index
      %swap3A_260 = tpu.vector_load %arg8[%swap3A_259] {strides = array<i32>} : memref<4736xf32, #tpu.memory_space<vmem>>, vector<16xf32>,
      %swap3A_261 = vector.shape_cast %swap3A_260 : vector<16xf32> to vector<16xf32>
      %swap3A_262 = vector.shape_cast %broadcast_in_dim3A_252 : vector<16xf32> to vector<16xf32>
      tpu.vector_store %arg8[%swap3A_259], %swap3A_262 {strides = array<i32>} : memref<4736xf32, #tpu.memory_space<vmem>>, vector<16xf32>,
      %broadcast_in_dim3A_263 = arith.constant 0.000000e+00 : f32
      %broadcast_in_dim3A_264 = vector.broadcast %broadcast_in_dim3A_263 : f32 to vector<16xf32>
      %mul3A_265 = arith.constant 8 : i32
      %mul3A_266 = arith.muli %scan3A_190, %mul3A_265 : i32
      %add3A_267 = arith.constant 6 : i32
      %add3A_268 = arith.addi %mul3A_266, %add3A_267 : i32
      %mul3A_269 = arith.constant 16 : i32
      %mul3A_270 = arith.muli %add3A_268, %mul3A_269 : i32
      %swap3A_271 = arith.index_cast %mul3A_270 : i32 to index
      %swap3A_272 = tpu.vector_load %arg8[%swap3A_271] {strides = array<i32>} : memref<4736xf32, #tpu.memory_space<vmem>>, vector<16xf32>,
      %swap3A_273 = vector.shape_cast %swap3A_272 : vector<16xf32> to vector<16xf32>
      %swap3A_274 = vector.shape_cast %broadcast_in_dim3A_264 : vector<16xf32> to vector<16xf32>
      tpu.vector_store %arg8[%swap3A_271], %swap3A_274 {strides = array<i32>} : memref<4736xf32, #tpu.memory_space<vmem>>, vector<16xf32>,
      %broadcast_in_dim3A_275 = arith.constant 0.000000e+00 : f32
      %broadcast_in_dim3A_276 = vector.broadcast %broadcast_in_dim3A_275 : f32 to vector<16xf32>
      %mul3A_277 = arith.constant 8 : i32
      %mul3A_278 = arith.muli %scan3A_190, %mul3A_277 : i32
      %add3A_279 = arith.constant 7 : i32
      %add3A_280 = arith.addi %mul3A_278, %add3A_279 : i32
      %mul3A_281 = arith.constant 16 : i32
      %mul3A_282 = arith.muli %add3A_280, %mul3A_281 : i32
      %swap3A_283 = arith.index_cast %mul3A_282 : i32 to index
      %swap3A_284 = tpu.vector_load %arg8[%swap3A_283] {strides = array<i32>} : memref<4736xf32, #tpu.memory_space<vmem>>, vector<16xf32>,
      %swap3A_285 = vector.shape_cast %swap3A_284 : vector<16xf32> to vector<16xf32>
      %swap3A_286 = vector.shape_cast %broadcast_in_dim3A_276 : vector<16xf32> to vector<16xf32>
      tpu.vector_store %arg8[%swap3A_283], %swap3A_286 {strides = array<i32>} : memref<4736xf32, #tpu.memory_space<vmem>>, vector<16xf32>,
    }
    %scan3A_7 = arith.constant 37 : i32
    %mul3A_8 = arith.constant 4736 : i32
    %mul3A_9 = arith.muli %arg1, %mul3A_8 : i32
    %dma_start3A = tpu.memref_slice %arg9[%mul3A_9] : memref<75776xf32, #tpu.memory_space<vmem_shared>> -> memref<4736xf32, #tpu.memory_space<vmem_shared>>
    %dma_start3A_10 = tpu.memref_slice %arg9[%mul3A_9] : memref<75776xf32, #tpu.memory_space<vmem_shared>> -> memref<4736xf32, #tpu.memory_space<vmem_shared>>
    tpu.enqueue_dma source(%arg8 : memref<4736xf32, #tpu.memory_space<vmem>>) target(%dma_start3A_10 : memref<4736xf32, #tpu.memory_space<vmem_shared>>) target_semaphore(%arg10 : memref<!tpu.dma_semaphore, #tpu.memory_space<semaphore_mem>>)
    %broadcast_in_dim3A = arith.constant 1.000000e+00 : f32
    %broadcast_in_dim3A_11 = vector.broadcast %broadcast_in_dim3A : f32 to vector<16xf32>
    %swap3A = arith.constant 0 : i32
    %swap3A_12 = arith.index_cast %swap3A : i32 to index
    %swap3A_13 = arith.constant 0 : index
    %swap3A_14 = tpu.vector_load %arg7[%swap3A_12, %swap3A_13] {strides = array<i32>} : memref<4x80xf32, #tpu.memory_space<vmem>>, vector<1x16xf32>,
    %swap3A_15 = vector.shape_cast %swap3A_14 : vector<1x16xf32> to vector<16xf32>
    %swap3A_16 = vector.shape_cast %broadcast_in_dim3A_11 : vector<16xf32> to vector<1x16xf32>
    tpu.vector_store %arg7[%swap3A_12, %swap3A_13], %swap3A_16 {strides = array<i32>} : memref<4x80xf32, #tpu.memory_space<vmem>>, vector<1x16xf32>,
    %broadcast_in_dim3A_17 = arith.constant 1.000000e+00 : f32
    %broadcast_in_dim3A_18 = vector.broadcast %broadcast_in_dim3A_17 : f32 to vector<16xf32>
    %swap3A_19 = arith.constant 0 : i32
    %swap3A_20 = arith.index_cast %swap3A_19 : i32 to index
    %swap3A_21 = arith.constant 16 : index
    %swap3A_22 = tpu.vector_load %arg7[%swap3A_20, %swap3A_21] {strides = array<i32>} : memref<4x80xf32, #tpu.memory_space<vmem>>, vector<1x16xf32>,
    %swap3A_23 = vector.shape_cast %swap3A_22 : vector<1x16xf32> to vector<16xf32>
    %swap3A_24 = vector.shape_cast %broadcast_in_dim3A_18 : vector<16xf32> to vector<1x16xf32>
    tpu.vector_store %arg7[%swap3A_20, %swap3A_21], %swap3A_24 {strides = array<i32>} : memref<4x80xf32, #tpu.memory_space<vmem>>, vector<1x16xf32>,
    %broadcast_in_dim3A_25 = arith.constant 1.000000e+00 : f32
    %broadcast_in_dim3A_26 = vector.broadcast %broadcast_in_dim3A_25 : f32 to vector<16xf32>
    %swap3A_27 = arith.constant 0 : i32
    %swap3A_28 = arith.index_cast %swap3A_27 : i32 to index
    %swap3A_29 = arith.constant 32 : index
    %swap3A_30 = tpu.vector_load %arg7[%swap3A_28, %swap3A_29] {strides = array<i32>} : memref<4x80xf32, #tpu.memory_space<vmem>>, vector<1x16xf32>,
    %swap3A_31 = vector.shape_cast %swap3A_30 : vector<1x16xf32> to vector<16xf32>
    %swap3A_32 = vector.shape_cast %broadcast_in_dim3A_26 : vector<16xf32> to vector<1x16xf32>
    tpu.vector_store %arg7[%swap3A_28, %swap3A_29], %swap3A_32 {strides = array<i32>} : memref<4x80xf32, #tpu.memory_space<vmem>>, vector<1x16xf32>,
    %broadcast_in_dim3A_33 = arith.constant 1.000000e+00 : f32
    %broadcast_in_dim3A_34 = vector.broadcast %broadcast_in_dim3A_33 : f32 to vector<16xf32>
    %swap3A_35 = arith.constant 0 : i32
    %swap3A_36 = arith.index_cast %swap3A_35 : i32 to index
    %swap3A_37 = arith.constant 48 : index
    %swap3A_38 = tpu.vector_load %arg7[%swap3A_36, %swap3A_37] {strides = array<i32>} : memref<4x80xf32, #tpu.memory_space<vmem>>, vector<1x16xf32>,
    %swap3A_39 = vector.shape_cast %swap3A_38 : vector<1x16xf32> to vector<16xf32>
    %swap3A_40 = vector.shape_cast %broadcast_in_dim3A_34 : vector<16xf32> to vector<1x16xf32>
    tpu.vector_store %arg7[%swap3A_36, %swap3A_37], %swap3A_40 {strides = array<i32>} : memref<4x80xf32, #tpu.memory_space<vmem>>, vector<1x16xf32>,
    %broadcast_in_dim3A_41 = arith.constant 1.000000e+00 : f32
    %broadcast_in_dim3A_42 = vector.broadcast %broadcast_in_dim3A_41 : f32 to vector<16xf32>
    %swap3A_43 = arith.constant 0 : i32
    %swap3A_44 = arith.index_cast %swap3A_43 : i32 to index
    %swap3A_45 = arith.constant 64 : index
    %swap3A_46 = tpu.vector_load %arg7[%swap3A_44, %swap3A_45] {strides = array<i32>} : memref<4x80xf32, #tpu.memory_space<vmem>>, vector<1x16xf32>,
    %swap3A_47 = vector.shape_cast %swap3A_46 : vector<1x16xf32> to vector<16xf32>
    %swap3A_48 = vector.shape_cast %broadcast_in_dim3A_42 : vector<16xf32> to vector<1x16xf32>
    tpu.vector_store %arg7[%swap3A_44, %swap3A_45], %swap3A_48 {strides = array<i32>} : memref<4x80xf32, #tpu.memory_space<vmem>>, vector<1x16xf32>,
    %broadcast_in_dim3A_49 = arith.constant 1.000000e+00 : f32
    %broadcast_in_dim3A_50 = vector.broadcast %broadcast_in_dim3A_49 : f32 to vector<16xf32>
    %swap3A_51 = arith.constant 1 : i32
    %swap3A_52 = arith.index_cast %swap3A_51 : i32 to index
    %swap3A_53 = arith.constant 0 : index
    %swap3A_54 = tpu.vector_load %arg7[%swap3A_52, %swap3A_53] {strides = array<i32>} : memref<4x80xf32, #tpu.memory_space<vmem>>, vector<1x16xf32>,
    %swap3A_55 = vector.shape_cast %swap3A_54 : vector<1x16xf32> to vector<16xf32>
    %swap3A_56 = vector.shape_cast %broadcast_in_dim3A_50 : vector<16xf32> to vector<1x16xf32>
    tpu.vector_store %arg7[%swap3A_52, %swap3A_53], %swap3A_56 {strides = array<i32>} : memref<4x80xf32, #tpu.memory_space<vmem>>, vector<1x16xf32>,
    %broadcast_in_dim3A_57 = arith.constant 1.000000e+00 : f32
    %broadcast_in_dim3A_58 = vector.broadcast %broadcast_in_dim3A_57 : f32 to vector<16xf32>
    %swap3A_59 = arith.constant 1 : i32
    %swap3A_60 = arith.index_cast %swap3A_59 : i32 to index
    %swap3A_61 = arith.constant 16 : index
    %swap3A_62 = tpu.vector_load %arg7[%swap3A_60, %swap3A_61] {strides = array<i32>} : memref<4x80xf32, #tpu.memory_space<vmem>>, vector<1x16xf32>,
    %swap3A_63 = vector.shape_cast %swap3A_62 : vector<1x16xf32> to vector<16xf32>
    %swap3A_64 = vector.shape_cast %broadcast_in_dim3A_58 : vector<16xf32> to vector<1x16xf32>
    tpu.vector_store %arg7[%swap3A_60, %swap3A_61], %swap3A_64 {strides = array<i32>} : memref<4x80xf32, #tpu.memory_space<vmem>>, vector<1x16xf32>,
    %broadcast_in_dim3A_65 = arith.constant 1.000000e+00 : f32
    %broadcast_in_dim3A_66 = vector.broadcast %broadcast_in_dim3A_65 : f32 to vector<16xf32>
    %swap3A_67 = arith.constant 1 : i32
    %swap3A_68 = arith.index_cast %swap3A_67 : i32 to index
    %swap3A_69 = arith.constant 32 : index
    %swap3A_70 = tpu.vector_load %arg7[%swap3A_68, %swap3A_69] {strides = array<i32>} : memref<4x80xf32, #tpu.memory_space<vmem>>, vector<1x16xf32>,
    %swap3A_71 = vector.shape_cast %swap3A_70 : vector<1x16xf32> to vector<16xf32>
    %swap3A_72 = vector.shape_cast %broadcast_in_dim3A_66 : vector<16xf32> to vector<1x16xf32>
    tpu.vector_store %arg7[%swap3A_68, %swap3A_69], %swap3A_72 {strides = array<i32>} : memref<4x80xf32, #tpu.memory_space<vmem>>, vector<1x16xf32>,
    %broadcast_in_dim3A_73 = arith.constant 1.000000e+00 : f32
    %broadcast_in_dim3A_74 = vector.broadcast %broadcast_in_dim3A_73 : f32 to vector<16xf32>
    %swap3A_75 = arith.constant 1 : i32
    %swap3A_76 = arith.index_cast %swap3A_75 : i32 to index
    %swap3A_77 = arith.constant 48 : index
    %swap3A_78 = tpu.vector_load %arg7[%swap3A_76, %swap3A_77] {strides = array<i32>} : memref<4x80xf32, #tpu.memory_space<vmem>>, vector<1x16xf32>,
    %swap3A_79 = vector.shape_cast %swap3A_78 : vector<1x16xf32> to vector<16xf32>
    %swap3A_80 = vector.shape_cast %broadcast_in_dim3A_74 : vector<16xf32> to vector<1x16xf32>
    tpu.vector_store %arg7[%swap3A_76, %swap3A_77], %swap3A_80 {strides = array<i32>} : memref<4x80xf32, #tpu.memory_space<vmem>>, vector<1x16xf32>,
    %broadcast_in_dim3A_81 = arith.constant 1.000000e+00 : f32
    %broadcast_in_dim3A_82 = vector.broadcast %broadcast_in_dim3A_81 : f32 to vector<16xf32>
    %swap3A_83 = arith.constant 1 : i32
    %swap3A_84 = arith.index_cast %swap3A_83 : i32 to index
    %swap3A_85 = arith.constant 64 : index
    %swap3A_86 = tpu.vector_load %arg7[%swap3A_84, %swap3A_85] {strides = array<i32>} : memref<4x80xf32, #tpu.memory_space<vmem>>, vector<1x16xf32>,
    %swap3A_87 = vector.shape_cast %swap3A_86 : vector<1x16xf32> to vector<16xf32>
    %swap3A_88 = vector.shape_cast %broadcast_in_dim3A_82 : vector<16xf32> to vector<1x16xf32>
    tpu.vector_store %arg7[%swap3A_84, %swap3A_85], %swap3A_88 {strides = array<i32>} : memref<4x80xf32, #tpu.memory_space<vmem>>, vector<1x16xf32>,
    %broadcast_in_dim3A_89 = arith.constant 1.000000e+00 : f32
    %broadcast_in_dim3A_90 = vector.broadcast %broadcast_in_dim3A_89 : f32 to vector<16xf32>
    %swap3A_91 = arith.constant 2 : i32
    %swap3A_92 = arith.index_cast %swap3A_91 : i32 to index
    %swap3A_93 = arith.constant 0 : index
    %swap3A_94 = tpu.vector_load %arg7[%swap3A_92, %swap3A_93] {strides = array<i32>} : memref<4x80xf32, #tpu.memory_space<vmem>>, vector<1x16xf32>,
    %swap3A_95 = vector.shape_cast %swap3A_94 : vector<1x16xf32> to vector<16xf32>
    %swap3A_96 = vector.shape_cast %broadcast_in_dim3A_90 : vector<16xf32> to vector<1x16xf32>
    tpu.vector_store %arg7[%swap3A_92, %swap3A_93], %swap3A_96 {strides = array<i32>} : memref<4x80xf32, #tpu.memory_space<vmem>>, vector<1x16xf32>,
    %broadcast_in_dim3A_97 = arith.constant 1.000000e+00 : f32
    %broadcast_in_dim3A_98 = vector.broadcast %broadcast_in_dim3A_97 : f32 to vector<16xf32>
    %swap3A_99 = arith.constant 2 : i32
    %swap3A_100 = arith.index_cast %swap3A_99 : i32 to index
    %swap3A_101 = arith.constant 16 : index
    %swap3A_102 = tpu.vector_load %arg7[%swap3A_100, %swap3A_101] {strides = array<i32>} : memref<4x80xf32, #tpu.memory_space<vmem>>, vector<1x16xf32>,
    %swap3A_103 = vector.shape_cast %swap3A_102 : vector<1x16xf32> to vector<16xf32>
    %swap3A_104 = vector.shape_cast %broadcast_in_dim3A_98 : vector<16xf32> to vector<1x16xf32>
    tpu.vector_store %arg7[%swap3A_100, %swap3A_101], %swap3A_104 {strides = array<i32>} : memref<4x80xf32, #tpu.memory_space<vmem>>, vector<1x16xf32>,
    %broadcast_in_dim3A_105 = arith.constant 1.000000e+00 : f32
    %broadcast_in_dim3A_106 = vector.broadcast %broadcast_in_dim3A_105 : f32 to vector<16xf32>
    %swap3A_107 = arith.constant 2 : i32
    %swap3A_108 = arith.index_cast %swap3A_107 : i32 to index
    %swap3A_109 = arith.constant 32 : index
    %swap3A_110 = tpu.vector_load %arg7[%swap3A_108, %swap3A_109] {strides = array<i32>} : memref<4x80xf32, #tpu.memory_space<vmem>>, vector<1x16xf32>,
    %swap3A_111 = vector.shape_cast %swap3A_110 : vector<1x16xf32> to vector<16xf32>
    %swap3A_112 = vector.shape_cast %broadcast_in_dim3A_106 : vector<16xf32> to vector<1x16xf32>
    tpu.vector_store %arg7[%swap3A_108, %swap3A_109], %swap3A_112 {strides = array<i32>} : memref<4x80xf32, #tpu.memory_space<vmem>>, vector<1x16xf32>,
    %broadcast_in_dim3A_113 = arith.constant 1.000000e+00 : f32
    %broadcast_in_dim3A_114 = vector.broadcast %broadcast_in_dim3A_113 : f32 to vector<16xf32>
    %swap3A_115 = arith.constant 2 : i32
    %swap3A_116 = arith.index_cast %swap3A_115 : i32 to index
    %swap3A_117 = arith.constant 48 : index
    %swap3A_118 = tpu.vector_load %arg7[%swap3A_116, %swap3A_117] {strides = array<i32>} : memref<4x80xf32, #tpu.memory_space<vmem>>, vector<1x16xf32>,
    %swap3A_119 = vector.shape_cast %swap3A_118 : vector<1x16xf32> to vector<16xf32>
    %swap3A_120 = vector.shape_cast %broadcast_in_dim3A_114 : vector<16xf32> to vector<1x16xf32>
    tpu.vector_store %arg7[%swap3A_116, %swap3A_117], %swap3A_120 {strides = array<i32>} : memref<4x80xf32, #tpu.memory_space<vmem>>, vector<1x16xf32>,
    %broadcast_in_dim3A_121 = arith.constant 1.000000e+00 : f32
    %broadcast_in_dim3A_122 = vector.broadcast %broadcast_in_dim3A_121 : f32 to vector<16xf32>
    %swap3A_123 = arith.constant 2 : i32
    %swap3A_124 = arith.index_cast %swap3A_123 : i32 to index
    %swap3A_125 = arith.constant 64 : index
    %swap3A_126 = tpu.vector_load %arg7[%swap3A_124, %swap3A_125] {strides = array<i32>} : memref<4x80xf32, #tpu.memory_space<vmem>>, vector<1x16xf32>,
    %swap3A_127 = vector.shape_cast %swap3A_126 : vector<1x16xf32> to vector<16xf32>
    %swap3A_128 = vector.shape_cast %broadcast_in_dim3A_122 : vector<16xf32> to vector<1x16xf32>
    tpu.vector_store %arg7[%swap3A_124, %swap3A_125], %swap3A_128 {strides = array<i32>} : memref<4x80xf32, #tpu.memory_space<vmem>>, vector<1x16xf32>,
    %broadcast_in_dim3A_129 = arith.constant 1.000000e+00 : f32
    %broadcast_in_dim3A_130 = vector.broadcast %broadcast_in_dim3A_129 : f32 to vector<16xf32>
    %swap3A_131 = arith.constant 3 : i32
    %swap3A_132 = arith.index_cast %swap3A_131 : i32 to index
    %swap3A_133 = arith.constant 0 : index
    %swap3A_134 = tpu.vector_load %arg7[%swap3A_132, %swap3A_133] {strides = array<i32>} : memref<4x80xf32, #tpu.memory_space<vmem>>, vector<1x16xf32>,
    %swap3A_135 = vector.shape_cast %swap3A_134 : vector<1x16xf32> to vector<16xf32>
    %swap3A_136 = vector.shape_cast %broadcast_in_dim3A_130 : vector<16xf32> to vector<1x16xf32>
    tpu.vector_store %arg7[%swap3A_132, %swap3A_133], %swap3A_136 {strides = array<i32>} : memref<4x80xf32, #tpu.memory_space<vmem>>, vector<1x16xf32>,
    %broadcast_in_dim3A_137 = arith.constant 1.000000e+00 : f32
    %broadcast_in_dim3A_138 = vector.broadcast %broadcast_in_dim3A_137 : f32 to vector<16xf32>
    %swap3A_139 = arith.constant 3 : i32
    %swap3A_140 = arith.index_cast %swap3A_139 : i32 to index
    %swap3A_141 = arith.constant 16 : index
    %swap3A_142 = tpu.vector_load %arg7[%swap3A_140, %swap3A_141] {strides = array<i32>} : memref<4x80xf32, #tpu.memory_space<vmem>>, vector<1x16xf32>,
    %swap3A_143 = vector.shape_cast %swap3A_142 : vector<1x16xf32> to vector<16xf32>
    %swap3A_144 = vector.shape_cast %broadcast_in_dim3A_138 : vector<16xf32> to vector<1x16xf32>
    tpu.vector_store %arg7[%swap3A_140, %swap3A_141], %swap3A_144 {strides = array<i32>} : memref<4x80xf32, #tpu.memory_space<vmem>>, vector<1x16xf32>,
    %broadcast_in_dim3A_145 = arith.constant 1.000000e+00 : f32
    %broadcast_in_dim3A_146 = vector.broadcast %broadcast_in_dim3A_145 : f32 to vector<16xf32>
    %swap3A_147 = arith.constant 3 : i32
    %swap3A_148 = arith.index_cast %swap3A_147 : i32 to index
    %swap3A_149 = arith.constant 32 : index
    %swap3A_150 = tpu.vector_load %arg7[%swap3A_148, %swap3A_149] {strides = array<i32>} : memref<4x80xf32, #tpu.memory_space<vmem>>, vector<1x16xf32>,
    %swap3A_151 = vector.shape_cast %swap3A_150 : vector<1x16xf32> to vector<16xf32>
    %swap3A_152 = vector.shape_cast %broadcast_in_dim3A_146 : vector<16xf32> to vector<1x16xf32>
    tpu.vector_store %arg7[%swap3A_148, %swap3A_149], %swap3A_152 {strides = array<i32>} : memref<4x80xf32, #tpu.memory_space<vmem>>, vector<1x16xf32>,
    %broadcast_in_dim3A_153 = arith.constant 1.000000e+00 : f32
    %broadcast_in_dim3A_154 = vector.broadcast %broadcast_in_dim3A_153 : f32 to vector<16xf32>
    %swap3A_155 = arith.constant 3 : i32
    %swap3A_156 = arith.index_cast %swap3A_155 : i32 to index
    %swap3A_157 = arith.constant 48 : index
    %swap3A_158 = tpu.vector_load %arg7[%swap3A_156, %swap3A_157] {strides = array<i32>} : memref<4x80xf32, #tpu.memory_space<vmem>>, vector<1x16xf32>,
    %swap3A_159 = vector.shape_cast %swap3A_158 : vector<1x16xf32> to vector<16xf32>
    %swap3A_160 = vector.shape_cast %broadcast_in_dim3A_154 : vector<16xf32> to vector<1x16xf32>
    tpu.vector_store %arg7[%swap3A_156, %swap3A_157], %swap3A_160 {strides = array<i32>} : memref<4x80xf32, #tpu.memory_space<vmem>>, vector<1x16xf32>,
    %broadcast_in_dim3A_161 = arith.constant 1.000000e+00 : f32
    %broadcast_in_dim3A_162 = vector.broadcast %broadcast_in_dim3A_161 : f32 to vector<16xf32>
    %swap3A_163 = arith.constant 3 : i32
    %swap3A_164 = arith.index_cast %swap3A_163 : i32 to index
    %swap3A_165 = arith.constant 64 : index
    %swap3A_166 = tpu.vector_load %arg7[%swap3A_164, %swap3A_165] {strides = array<i32>} : memref<4x80xf32, #tpu.memory_space<vmem>>, vector<1x16xf32>,
    %swap3A_167 = vector.shape_cast %swap3A_166 : vector<1x16xf32> to vector<16xf32>
    %swap3A_168 = vector.shape_cast %broadcast_in_dim3A_162 : vector<16xf32> to vector<1x16xf32>
    tpu.vector_store %arg7[%swap3A_164, %swap3A_165], %swap3A_168 {strides = array<i32>} : memref<4x80xf32, #tpu.memory_space<vmem>>, vector<1x16xf32>,
    %mul3A_169 = arith.constant 4736 : i32
    %mul3A_170 = arith.muli %arg1, %mul3A_169 : i32
    %lt3A_171 = arith.constant 15 : i32
    %lt3A_172 = arith.cmpi slt, %add3A, %lt3A_171 : i32
    %convert_element_type3A_173 = arith.extui %lt3A_172 : i1 to i32
    %cond3A_174 = arith.constant 0 : i32
    %cond3A_175 = arith.cmpi ne, %convert_element_type3A_173, %cond3A_174 : i32
    scf.if %cond3A_175 {
      %mul3A_190 = arith.constant 312 : i32
      %mul3A_191 = arith.muli %add3A, %mul3A_190 : i32
      %dma_wait3A = arith.constant 0 : i32
      %dma_wait3A_192 = tpu.memref_slice %arg5[%dma_wait3A] : memref<640xi32, #tpu.memory_space<vmem>> -> memref<312xi32, #tpu.memory_space<vmem>>
      %dma_wait3A_193 = tpu.memref_slice %arg2[%mul3A_191] : memref<4680xi32, #tpu.memory_space<hbm>> -> memref<312xi32, #tpu.memory_space<hbm>>
      %dma_wait3A_194 = arith.constant 0 : i32
      %dma_wait3A_195 = tpu.memref_slice %arg5[%dma_wait3A_194] : memref<640xi32, #tpu.memory_space<vmem>> -> memref<312xi32, #tpu.memory_space<vmem>>
      %dma_wait3A_196 = tpu.memref_slice %arg2[%mul3A_191] : memref<4680xi32, #tpu.memory_space<hbm>> -> memref<312xi32, #tpu.memory_space<hbm>>
      tpu.wait_dma2 semaphore(%arg10 : memref<!tpu.dma_semaphore, #tpu.memory_space<semaphore_mem>>) src(%dma_wait3A_196 : memref<312xi32, #tpu.memory_space<hbm>>) dst(%dma_wait3A_195 : memref<312xi32, #tpu.memory_space<vmem>>)
      %mul3A_197 = arith.constant 312 : i32
      %mul3A_198 = arith.muli %add3A, %mul3A_197 : i32
      %dma_wait3A_199 = arith.constant 320 : i32
      %dma_wait3A_200 = tpu.memref_slice %arg5[%dma_wait3A_199] : memref<640xi32, #tpu.memory_space<vmem>> -> memref<312xi32, #tpu.memory_space<vmem>>
      %dma_wait3A_201 = tpu.memref_slice %arg3[%mul3A_198] : memref<4680xi32, #tpu.memory_space<hbm>> -> memref<312xi32, #tpu.memory_space<hbm>>
      %dma_wait3A_202 = arith.constant 320 : i32
      %dma_wait3A_203 = tpu.memref_slice %arg5[%dma_wait3A_202] : memref<640xi32, #tpu.memory_space<vmem>> -> memref<312xi32, #tpu.memory_space<vmem>>
      %dma_wait3A_204 = tpu.memref_slice %arg3[%mul3A_198] : memref<4680xi32, #tpu.memory_space<hbm>> -> memref<312xi32, #tpu.memory_space<hbm>>
      tpu.wait_dma2 semaphore(%arg10 : memref<!tpu.dma_semaphore, #tpu.memory_space<semaphore_mem>>) src(%dma_wait3A_204 : memref<312xi32, #tpu.memory_space<hbm>>) dst(%dma_wait3A_203 : memref<312xi32, #tpu.memory_space<vmem>>)
      %dma_wait3A_205 = tpu.memref_slice %arg9[%mul3A_170] : memref<75776xf32, #tpu.memory_space<vmem_shared>> -> memref<4736xf32, #tpu.memory_space<vmem_shared>>
      %dma_wait3A_206 = tpu.memref_slice %arg9[%mul3A_170] : memref<75776xf32, #tpu.memory_space<vmem_shared>> -> memref<4736xf32, #tpu.memory_space<vmem_shared>>
      tpu.wait_dma2 semaphore(%arg10 : memref<!tpu.dma_semaphore, #tpu.memory_space<semaphore_mem>>) src(%arg8 : memref<4736xf32, #tpu.memory_space<vmem>>) dst(%dma_wait3A_206 : memref<4736xf32, #tpu.memory_space<vmem_shared>>)
      %iota3A = tpu.iota {dimensions = array<i32: 0>} : vector<16xi32>
      %get3A = arith.constant 0 : index
      %get3A_207 = tpu.vector_load %arg5[%get3A] {strides = array<i32>} : memref<640xi32, #tpu.memory_space<vmem>>, vector<16xi32>,
      %get3A_208 = vector.shape_cast %get3A_207 : vector<16xi32> to vector<16xi32>
      %mul3A_209 = arith.constant 128 : i32
      %mul3A_210 = vector.broadcast %mul3A_209 : i32 to vector<16xi32>
      %mul3A_211 = arith.muli %get3A_208, %mul3A_210 : vector<16xi32>
      %get3A_212 = arith.constant 320 : index
      %get3A_213 = tpu.vector_load %arg5[%get3A_212] {strides = array<i32>} : memref<640xi32, #tpu.memory_space<vmem>>, vector<16xi32>,
      %get3A_214 = vector.shape_cast %get3A_213 : vector<16xi32> to vector<16xi32>
      %add3A_215 = arith.addi %mul3A_211, %get3A_214 : vector<16xi32>
      %add3A_216 = arith.constant 1 : i32
      %add3A_217 = vector.broadcast %add3A_216 : i32 to vector<16xi32>
      %add3A_218 = arith.addi %add3A_215, %add3A_217 : vector<16xi32>
      %swap3A_219 = arith.constant 0 : i32
      %swap3A_220 = arith.index_cast %swap3A_219 : i32 to index
      %swap3A_221 = arith.constant 0 : index
      %swap3A_222 = tpu.vector_load %arg6[%swap3A_220, %swap3A_221] {strides = array<i32>} : memref<4x80xi32, #tpu.memory_space<vmem>>, vector<1x16xi32>,
      %swap3A_223 = vector.shape_cast %swap3A_222 : vector<1x16xi32> to vector<16xi32>
      %swap3A_224 = vector.shape_cast %add3A_218 : vector<16xi32> to vector<1x16xi32>
      tpu.vector_store %arg6[%swap3A_220, %swap3A_221], %swap3A_224 {strides = array<i32>} : memref<4x80xi32, #tpu.memory_space<vmem>>, vector<1x16xi32>,
      %get3A_225 = arith.constant 16 : index
      %get3A_226 = tpu.vector_load %arg5[%get3A_225] {strides = array<i32>} : memref<640xi32, #tpu.memory_space<vmem>>, vector<16xi32>,
      %get3A_227 = vector.shape_cast %get3A_226 : vector<16xi32> to vector<16xi32>
      %mul3A_228 = arith.constant 128 : i32
      %mul3A_229 = vector.broadcast %mul3A_228 : i32 to vector<16xi32>
      %mul3A_230 = arith.muli %get3A_227, %mul3A_229 : vector<16xi32>
      %get3A_231 = arith.constant 336 : index
      %get3A_232 = tpu.vector_load %arg5[%get3A_231] {strides = array<i32>} : memref<640xi32, #tpu.memory_space<vmem>>, vector<16xi32>,
      %get3A_233 = vector.shape_cast %get3A_232 : vector<16xi32> to vector<16xi32>
      %add3A_234 = arith.addi %mul3A_230, %get3A_233 : vector<16xi32>
      %add3A_235 = arith.constant 1 : i32
      %add3A_236 = vector.broadcast %add3A_235 : i32 to vector<16xi32>
      %add3A_237 = arith.addi %add3A_234, %add3A_236 : vector<16xi32>
      %swap3A_238 = arith.constant 0 : i32
      %swap3A_239 = arith.index_cast %swap3A_238 : i32 to index
      %swap3A_240 = arith.constant 16 : index
      %swap3A_241 = tpu.vector_load %arg6[%swap3A_239, %swap3A_240] {strides = array<i32>} : memref<4x80xi32, #tpu.memory_space<vmem>>, vector<1x16xi32>,
      %swap3A_242 = vector.shape_cast %swap3A_241 : vector<1x16xi32> to vector<16xi32>
      %swap3A_243 = vector.shape_cast %add3A_237 : vector<16xi32> to vector<1x16xi32>
      tpu.vector_store %arg6[%swap3A_239, %swap3A_240], %swap3A_243 {strides = array<i32>} : memref<4x80xi32, #tpu.memory_space<vmem>>, vector<1x16xi32>,
      %get3A_244 = arith.constant 32 : index
      %get3A_245 = tpu.vector_load %arg5[%get3A_244] {strides = array<i32>} : memref<640xi32, #tpu.memory_space<vmem>>, vector<16xi32>,
      %get3A_246 = vector.shape_cast %get3A_245 : vector<16xi32> to vector<16xi32>
      %mul3A_247 = arith.constant 128 : i32
      %mul3A_248 = vector.broadcast %mul3A_247 : i32 to vector<16xi32>
      %mul3A_249 = arith.muli %get3A_246, %mul3A_248 : vector<16xi32>
      %get3A_250 = arith.constant 352 : index
      %get3A_251 = tpu.vector_load %arg5[%get3A_250] {strides = array<i32>} : memref<640xi32, #tpu.memory_space<vmem>>, vector<16xi32>,
      %get3A_252 = vector.shape_cast %get3A_251 : vector<16xi32> to vector<16xi32>
      %add3A_253 = arith.addi %mul3A_249, %get3A_252 : vector<16xi32>
      %add3A_254 = arith.constant 1 : i32
      %add3A_255 = vector.broadcast %add3A_254 : i32 to vector<16xi32>
      %add3A_256 = arith.addi %add3A_253, %add3A_255 : vector<16xi32>
      %swap3A_257 = arith.constant 0 : i32
      %swap3A_258 = arith.index_cast %swap3A_257 : i32 to index
      %swap3A_259 = arith.constant 32 : index
      %swap3A_260 = tpu.vector_load %arg6[%swap3A_258, %swap3A_259] {strides = array<i32>} : memref<4x80xi32, #tpu.memory_space<vmem>>, vector<1x16xi32>,
      %swap3A_261 = vector.shape_cast %swap3A_260 : vector<1x16xi32> to vector<16xi32>
      %swap3A_262 = vector.shape_cast %add3A_256 : vector<16xi32> to vector<1x16xi32>
      tpu.vector_store %arg6[%swap3A_258, %swap3A_259], %swap3A_262 {strides = array<i32>} : memref<4x80xi32, #tpu.memory_space<vmem>>, vector<1x16xi32>,
      %get3A_263 = arith.constant 48 : index
      %get3A_264 = tpu.vector_load %arg5[%get3A_263] {strides = array<i32>} : memref<640xi32, #tpu.memory_space<vmem>>, vector<16xi32>,
      %get3A_265 = vector.shape_cast %get3A_264 : vector<16xi32> to vector<16xi32>
      %mul3A_266 = arith.constant 128 : i32
      %mul3A_267 = vector.broadcast %mul3A_266 : i32 to vector<16xi32>
      %mul3A_268 = arith.muli %get3A_265, %mul3A_267 : vector<16xi32>
      %get3A_269 = arith.constant 368 : index
      %get3A_270 = tpu.vector_load %arg5[%get3A_269] {strides = array<i32>} : memref<640xi32, #tpu.memory_space<vmem>>, vector<16xi32>,
      %get3A_271 = vector.shape_cast %get3A_270 : vector<16xi32> to vector<16xi32>
      %add3A_272 = arith.addi %mul3A_268, %get3A_271 : vector<16xi32>
      %add3A_273 = arith.constant 1 : i32
      %add3A_274 = vector.broadcast %add3A_273 : i32 to vector<16xi32>
      %add3A_275 = arith.addi %add3A_272, %add3A_274 : vector<16xi32>
      %swap3A_276 = arith.constant 0 : i32
      %swap3A_277 = arith.index_cast %swap3A_276 : i32 to index
      %swap3A_278 = arith.constant 48 : index
      %swap3A_279 = tpu.vector_load %arg6[%swap3A_277, %swap3A_278] {strides = array<i32>} : memref<4x80xi32, #tpu.memory_space<vmem>>, vector<1x16xi32>,
      %swap3A_280 = vector.shape_cast %swap3A_279 : vector<1x16xi32> to vector<16xi32>
      %swap3A_281 = vector.shape_cast %add3A_275 : vector<16xi32> to vector<1x16xi32>
      tpu.vector_store %arg6[%swap3A_277, %swap3A_278], %swap3A_281 {strides = array<i32>} : memref<4x80xi32, #tpu.memory_space<vmem>>, vector<1x16xi32>,
      %get3A_282 = arith.constant 64 : index
      %get3A_283 = tpu.vector_load %arg5[%get3A_282] {strides = array<i32>} : memref<640xi32, #tpu.memory_space<vmem>>, vector<16xi32>,
      %get3A_284 = vector.shape_cast %get3A_283 : vector<16xi32> to vector<16xi32>
      %mul3A_285 = arith.constant 128 : i32
      %mul3A_286 = vector.broadcast %mul3A_285 : i32 to vector<16xi32>
      %mul3A_287 = arith.muli %get3A_284, %mul3A_286 : vector<16xi32>
      %get3A_288 = arith.constant 384 : index
      %get3A_289 = tpu.vector_load %arg5[%get3A_288] {strides = array<i32>} : memref<640xi32, #tpu.memory_space<vmem>>, vector<16xi32>,
      %get3A_290 = vector.shape_cast %get3A_289 : vector<16xi32> to vector<16xi32>
      %add3A_291 = arith.addi %mul3A_287, %get3A_290 : vector<16xi32>
      %add3A_292 = arith.constant 1 : i32
      %add3A_293 = vector.broadcast %add3A_292 : i32 to vector<16xi32>
      %add3A_294 = arith.addi %add3A_291, %add3A_293 : vector<16xi32>
      %swap3A_295 = arith.constant 0 : i32
      %swap3A_296 = arith.index_cast %swap3A_295 : i32 to index
      %swap3A_297 = arith.constant 64 : index
      %swap3A_298 = tpu.vector_load %arg6[%swap3A_296, %swap3A_297] {strides = array<i32>} : memref<4x80xi32, #tpu.memory_space<vmem>>, vector<1x16xi32>,
      %swap3A_299 = vector.shape_cast %swap3A_298 : vector<1x16xi32> to vector<16xi32>
      %swap3A_300 = vector.shape_cast %add3A_294 : vector<16xi32> to vector<1x16xi32>
      tpu.vector_store %arg6[%swap3A_296, %swap3A_297], %swap3A_300 {strides = array<i32>} : memref<4x80xi32, #tpu.memory_space<vmem>>, vector<1x16xi32>,
      %get3A_301 = arith.constant 80 : index
      %get3A_302 = tpu.vector_load %arg5[%get3A_301] {strides = array<i32>} : memref<640xi32, #tpu.memory_space<vmem>>, vector<16xi32>,
      %get3A_303 = vector.shape_cast %get3A_302 : vector<16xi32> to vector<16xi32>
      %mul3A_304 = arith.constant 128 : i32
      %mul3A_305 = vector.broadcast %mul3A_304 : i32 to vector<16xi32>
      %mul3A_306 = arith.muli %get3A_303, %mul3A_305 : vector<16xi32>
      %get3A_307 = arith.constant 400 : index
      %get3A_308 = tpu.vector_load %arg5[%get3A_307] {strides = array<i32>} : memref<640xi32, #tpu.memory_space<vmem>>, vector<16xi32>,
      %get3A_309 = vector.shape_cast %get3A_308 : vector<16xi32> to vector<16xi32>
      %add3A_310 = arith.addi %mul3A_306, %get3A_309 : vector<16xi32>
      %add3A_311 = arith.constant 1 : i32
      %add3A_312 = vector.broadcast %add3A_311 : i32 to vector<16xi32>
      %add3A_313 = arith.addi %add3A_310, %add3A_312 : vector<16xi32>
      %swap3A_314 = arith.constant 1 : i32
      %swap3A_315 = arith.index_cast %swap3A_314 : i32 to index
      %swap3A_316 = arith.constant 0 : index
      %swap3A_317 = tpu.vector_load %arg6[%swap3A_315, %swap3A_316] {strides = array<i32>} : memref<4x80xi32, #tpu.memory_space<vmem>>, vector<1x16xi32>,
      %swap3A_318 = vector.shape_cast %swap3A_317 : vector<1x16xi32> to vector<16xi32>
      %swap3A_319 = vector.shape_cast %add3A_313 : vector<16xi32> to vector<1x16xi32>
      tpu.vector_store %arg6[%swap3A_315, %swap3A_316], %swap3A_319 {strides = array<i32>} : memref<4x80xi32, #tpu.memory_space<vmem>>, vector<1x16xi32>,
      %get3A_320 = arith.constant 96 : index
      %get3A_321 = tpu.vector_load %arg5[%get3A_320] {strides = array<i32>} : memref<640xi32, #tpu.memory_space<vmem>>, vector<16xi32>,
      %get3A_322 = vector.shape_cast %get3A_321 : vector<16xi32> to vector<16xi32>
      %mul3A_323 = arith.constant 128 : i32
      %mul3A_324 = vector.broadcast %mul3A_323 : i32 to vector<16xi32>
      %mul3A_325 = arith.muli %get3A_322, %mul3A_324 : vector<16xi32>
      %get3A_326 = arith.constant 416 : index
      %get3A_327 = tpu.vector_load %arg5[%get3A_326] {strides = array<i32>} : memref<640xi32, #tpu.memory_space<vmem>>, vector<16xi32>,
      %get3A_328 = vector.shape_cast %get3A_327 : vector<16xi32> to vector<16xi32>
      %add3A_329 = arith.addi %mul3A_325, %get3A_328 : vector<16xi32>
      %add3A_330 = arith.constant 1 : i32
      %add3A_331 = vector.broadcast %add3A_330 : i32 to vector<16xi32>
      %add3A_332 = arith.addi %add3A_329, %add3A_331 : vector<16xi32>
      %swap3A_333 = arith.constant 1 : i32
      %swap3A_334 = arith.index_cast %swap3A_333 : i32 to index
      %swap3A_335 = arith.constant 16 : index
      %swap3A_336 = tpu.vector_load %arg6[%swap3A_334, %swap3A_335] {strides = array<i32>} : memref<4x80xi32, #tpu.memory_space<vmem>>, vector<1x16xi32>,
      %swap3A_337 = vector.shape_cast %swap3A_336 : vector<1x16xi32> to vector<16xi32>
      %swap3A_338 = vector.shape_cast %add3A_332 : vector<16xi32> to vector<1x16xi32>
      tpu.vector_store %arg6[%swap3A_334, %swap3A_335], %swap3A_338 {strides = array<i32>} : memref<4x80xi32, #tpu.memory_space<vmem>>, vector<1x16xi32>,
      %get3A_339 = arith.constant 112 : index
      %get3A_340 = tpu.vector_load %arg5[%get3A_339] {strides = array<i32>} : memref<640xi32, #tpu.memory_space<vmem>>, vector<16xi32>,
      %get3A_341 = vector.shape_cast %get3A_340 : vector<16xi32> to vector<16xi32>
      %mul3A_342 = arith.constant 128 : i32
      %mul3A_343 = vector.broadcast %mul3A_342 : i32 to vector<16xi32>
      %mul3A_344 = arith.muli %get3A_341, %mul3A_343 : vector<16xi32>
      %get3A_345 = arith.constant 432 : index
      %get3A_346 = tpu.vector_load %arg5[%get3A_345] {strides = array<i32>} : memref<640xi32, #tpu.memory_space<vmem>>, vector<16xi32>,
      %get3A_347 = vector.shape_cast %get3A_346 : vector<16xi32> to vector<16xi32>
      %add3A_348 = arith.addi %mul3A_344, %get3A_347 : vector<16xi32>
      %add3A_349 = arith.constant 1 : i32
      %add3A_350 = vector.broadcast %add3A_349 : i32 to vector<16xi32>
      %add3A_351 = arith.addi %add3A_348, %add3A_350 : vector<16xi32>
      %swap3A_352 = arith.constant 1 : i32
      %swap3A_353 = arith.index_cast %swap3A_352 : i32 to index
      %swap3A_354 = arith.constant 32 : index
      %swap3A_355 = tpu.vector_load %arg6[%swap3A_353, %swap3A_354] {strides = array<i32>} : memref<4x80xi32, #tpu.memory_space<vmem>>, vector<1x16xi32>,
      %swap3A_356 = vector.shape_cast %swap3A_355 : vector<1x16xi32> to vector<16xi32>
      %swap3A_357 = vector.shape_cast %add3A_351 : vector<16xi32> to vector<1x16xi32>
      tpu.vector_store %arg6[%swap3A_353, %swap3A_354], %swap3A_357 {strides = array<i32>} : memref<4x80xi32, #tpu.memory_space<vmem>>, vector<1x16xi32>,
      %get3A_358 = arith.constant 128 : index
      %get3A_359 = tpu.vector_load %arg5[%get3A_358] {strides = array<i32>} : memref<640xi32, #tpu.memory_space<vmem>>, vector<16xi32>,
      %get3A_360 = vector.shape_cast %get3A_359 : vector<16xi32> to vector<16xi32>
      %mul3A_361 = arith.constant 128 : i32
      %mul3A_362 = vector.broadcast %mul3A_361 : i32 to vector<16xi32>
      %mul3A_363 = arith.muli %get3A_360, %mul3A_362 : vector<16xi32>
      %get3A_364 = arith.constant 448 : index
      %get3A_365 = tpu.vector_load %arg5[%get3A_364] {strides = array<i32>} : memref<640xi32, #tpu.memory_space<vmem>>, vector<16xi32>,
      %get3A_366 = vector.shape_cast %get3A_365 : vector<16xi32> to vector<16xi32>
      %add3A_367 = arith.addi %mul3A_363, %get3A_366 : vector<16xi32>
      %add3A_368 = arith.constant 1 : i32
      %add3A_369 = vector.broadcast %add3A_368 : i32 to vector<16xi32>
      %add3A_370 = arith.addi %add3A_367, %add3A_369 : vector<16xi32>
      %swap3A_371 = arith.constant 1 : i32
      %swap3A_372 = arith.index_cast %swap3A_371 : i32 to index
      %swap3A_373 = arith.constant 48 : index
      %swap3A_374 = tpu.vector_load %arg6[%swap3A_372, %swap3A_373] {strides = array<i32>} : memref<4x80xi32, #tpu.memory_space<vmem>>, vector<1x16xi32>,
      %swap3A_375 = vector.shape_cast %swap3A_374 : vector<1x16xi32> to vector<16xi32>
      %swap3A_376 = vector.shape_cast %add3A_370 : vector<16xi32> to vector<1x16xi32>
      tpu.vector_store %arg6[%swap3A_372, %swap3A_373], %swap3A_376 {strides = array<i32>} : memref<4x80xi32, #tpu.memory_space<vmem>>, vector<1x16xi32>,
      %get3A_377 = arith.constant 144 : index
      %get3A_378 = tpu.vector_load %arg5[%get3A_377] {strides = array<i32>} : memref<640xi32, #tpu.memory_space<vmem>>, vector<16xi32>,
      %get3A_379 = vector.shape_cast %get3A_378 : vector<16xi32> to vector<16xi32>
      %mul3A_380 = arith.constant 128 : i32
      %mul3A_381 = vector.broadcast %mul3A_380 : i32 to vector<16xi32>
      %mul3A_382 = arith.muli %get3A_379, %mul3A_381 : vector<16xi32>
      %get3A_383 = arith.constant 464 : index
      %get3A_384 = tpu.vector_load %arg5[%get3A_383] {strides = array<i32>} : memref<640xi32, #tpu.memory_space<vmem>>, vector<16xi32>,
      %get3A_385 = vector.shape_cast %get3A_384 : vector<16xi32> to vector<16xi32>
      %add3A_386 = arith.addi %mul3A_382, %get3A_385 : vector<16xi32>
      %add3A_387 = arith.constant 1 : i32
      %add3A_388 = vector.broadcast %add3A_387 : i32 to vector<16xi32>
      %add3A_389 = arith.addi %add3A_386, %add3A_388 : vector<16xi32>
      %swap3A_390 = arith.constant 1 : i32
      %swap3A_391 = arith.index_cast %swap3A_390 : i32 to index
      %swap3A_392 = arith.constant 64 : index
      %swap3A_393 = tpu.vector_load %arg6[%swap3A_391, %swap3A_392] {strides = array<i32>} : memref<4x80xi32, #tpu.memory_space<vmem>>, vector<1x16xi32>,
      %swap3A_394 = vector.shape_cast %swap3A_393 : vector<1x16xi32> to vector<16xi32>
      %swap3A_395 = vector.shape_cast %add3A_389 : vector<16xi32> to vector<1x16xi32>
      tpu.vector_store %arg6[%swap3A_391, %swap3A_392], %swap3A_395 {strides = array<i32>} : memref<4x80xi32, #tpu.memory_space<vmem>>, vector<1x16xi32>,
      %get3A_396 = arith.constant 160 : index
      %get3A_397 = tpu.vector_load %arg5[%get3A_396] {strides = array<i32>} : memref<640xi32, #tpu.memory_space<vmem>>, vector<16xi32>,
      %get3A_398 = vector.shape_cast %get3A_397 : vector<16xi32> to vector<16xi32>
      %mul3A_399 = arith.constant 128 : i32
      %mul3A_400 = vector.broadcast %mul3A_399 : i32 to vector<16xi32>
      %mul3A_401 = arith.muli %get3A_398, %mul3A_400 : vector<16xi32>
      %get3A_402 = arith.constant 480 : index
      %get3A_403 = tpu.vector_load %arg5[%get3A_402] {strides = array<i32>} : memref<640xi32, #tpu.memory_space<vmem>>, vector<16xi32>,
      %get3A_404 = vector.shape_cast %get3A_403 : vector<16xi32> to vector<16xi32>
      %add3A_405 = arith.addi %mul3A_401, %get3A_404 : vector<16xi32>
      %add3A_406 = arith.constant 1 : i32
      %add3A_407 = vector.broadcast %add3A_406 : i32 to vector<16xi32>
      %add3A_408 = arith.addi %add3A_405, %add3A_407 : vector<16xi32>
      %swap3A_409 = arith.constant 2 : i32
      %swap3A_410 = arith.index_cast %swap3A_409 : i32 to index
      %swap3A_411 = arith.constant 0 : index
      %swap3A_412 = tpu.vector_load %arg6[%swap3A_410, %swap3A_411] {strides = array<i32>} : memref<4x80xi32, #tpu.memory_space<vmem>>, vector<1x16xi32>,
      %swap3A_413 = vector.shape_cast %swap3A_412 : vector<1x16xi32> to vector<16xi32>
      %swap3A_414 = vector.shape_cast %add3A_408 : vector<16xi32> to vector<1x16xi32>
      tpu.vector_store %arg6[%swap3A_410, %swap3A_411], %swap3A_414 {strides = array<i32>} : memref<4x80xi32, #tpu.memory_space<vmem>>, vector<1x16xi32>,
      %get3A_415 = arith.constant 176 : index
      %get3A_416 = tpu.vector_load %arg5[%get3A_415] {strides = array<i32>} : memref<640xi32, #tpu.memory_space<vmem>>, vector<16xi32>,
      %get3A_417 = vector.shape_cast %get3A_416 : vector<16xi32> to vector<16xi32>
      %mul3A_418 = arith.constant 128 : i32
      %mul3A_419 = vector.broadcast %mul3A_418 : i32 to vector<16xi32>
      %mul3A_420 = arith.muli %get3A_417, %mul3A_419 : vector<16xi32>
      %get3A_421 = arith.constant 496 : index
      %get3A_422 = tpu.vector_load %arg5[%get3A_421] {strides = array<i32>} : memref<640xi32, #tpu.memory_space<vmem>>, vector<16xi32>,
      %get3A_423 = vector.shape_cast %get3A_422 : vector<16xi32> to vector<16xi32>
      %add3A_424 = arith.addi %mul3A_420, %get3A_423 : vector<16xi32>
      %add3A_425 = arith.constant 1 : i32
      %add3A_426 = vector.broadcast %add3A_425 : i32 to vector<16xi32>
      %add3A_427 = arith.addi %add3A_424, %add3A_426 : vector<16xi32>
      %swap3A_428 = arith.constant 2 : i32
      %swap3A_429 = arith.index_cast %swap3A_428 : i32 to index
      %swap3A_430 = arith.constant 16 : index
      %swap3A_431 = tpu.vector_load %arg6[%swap3A_429, %swap3A_430] {strides = array<i32>} : memref<4x80xi32, #tpu.memory_space<vmem>>, vector<1x16xi32>,
      %swap3A_432 = vector.shape_cast %swap3A_431 : vector<1x16xi32> to vector<16xi32>
      %swap3A_433 = vector.shape_cast %add3A_427 : vector<16xi32> to vector<1x16xi32>
      tpu.vector_store %arg6[%swap3A_429, %swap3A_430], %swap3A_433 {strides = array<i32>} : memref<4x80xi32, #tpu.memory_space<vmem>>, vector<1x16xi32>,
      %get3A_434 = arith.constant 192 : index
      %get3A_435 = tpu.vector_load %arg5[%get3A_434] {strides = array<i32>} : memref<640xi32, #tpu.memory_space<vmem>>, vector<16xi32>,
      %get3A_436 = vector.shape_cast %get3A_435 : vector<16xi32> to vector<16xi32>
      %mul3A_437 = arith.constant 128 : i32
      %mul3A_438 = vector.broadcast %mul3A_437 : i32 to vector<16xi32>
      %mul3A_439 = arith.muli %get3A_436, %mul3A_438 : vector<16xi32>
      %get3A_440 = arith.constant 512 : index
      %get3A_441 = tpu.vector_load %arg5[%get3A_440] {strides = array<i32>} : memref<640xi32, #tpu.memory_space<vmem>>, vector<16xi32>,
      %get3A_442 = vector.shape_cast %get3A_441 : vector<16xi32> to vector<16xi32>
      %add3A_443 = arith.addi %mul3A_439, %get3A_442 : vector<16xi32>
      %add3A_444 = arith.constant 1 : i32
      %add3A_445 = vector.broadcast %add3A_444 : i32 to vector<16xi32>
      %add3A_446 = arith.addi %add3A_443, %add3A_445 : vector<16xi32>
      %swap3A_447 = arith.constant 2 : i32
      %swap3A_448 = arith.index_cast %swap3A_447 : i32 to index
      %swap3A_449 = arith.constant 32 : index
      %swap3A_450 = tpu.vector_load %arg6[%swap3A_448, %swap3A_449] {strides = array<i32>} : memref<4x80xi32, #tpu.memory_space<vmem>>, vector<1x16xi32>,
      %swap3A_451 = vector.shape_cast %swap3A_450 : vector<1x16xi32> to vector<16xi32>
      %swap3A_452 = vector.shape_cast %add3A_446 : vector<16xi32> to vector<1x16xi32>
      tpu.vector_store %arg6[%swap3A_448, %swap3A_449], %swap3A_452 {strides = array<i32>} : memref<4x80xi32, #tpu.memory_space<vmem>>, vector<1x16xi32>,
      %get3A_453 = arith.constant 208 : index
      %get3A_454 = tpu.vector_load %arg5[%get3A_453] {strides = array<i32>} : memref<640xi32, #tpu.memory_space<vmem>>, vector<16xi32>,
      %get3A_455 = vector.shape_cast %get3A_454 : vector<16xi32> to vector<16xi32>
      %mul3A_456 = arith.constant 128 : i32
      %mul3A_457 = vector.broadcast %mul3A_456 : i32 to vector<16xi32>
      %mul3A_458 = arith.muli %get3A_455, %mul3A_457 : vector<16xi32>
      %get3A_459 = arith.constant 528 : index
      %get3A_460 = tpu.vector_load %arg5[%get3A_459] {strides = array<i32>} : memref<640xi32, #tpu.memory_space<vmem>>, vector<16xi32>,
      %get3A_461 = vector.shape_cast %get3A_460 : vector<16xi32> to vector<16xi32>
      %add3A_462 = arith.addi %mul3A_458, %get3A_461 : vector<16xi32>
      %add3A_463 = arith.constant 1 : i32
      %add3A_464 = vector.broadcast %add3A_463 : i32 to vector<16xi32>
      %add3A_465 = arith.addi %add3A_462, %add3A_464 : vector<16xi32>
      %swap3A_466 = arith.constant 2 : i32
      %swap3A_467 = arith.index_cast %swap3A_466 : i32 to index
      %swap3A_468 = arith.constant 48 : index
      %swap3A_469 = tpu.vector_load %arg6[%swap3A_467, %swap3A_468] {strides = array<i32>} : memref<4x80xi32, #tpu.memory_space<vmem>>, vector<1x16xi32>,
      %swap3A_470 = vector.shape_cast %swap3A_469 : vector<1x16xi32> to vector<16xi32>
      %swap3A_471 = vector.shape_cast %add3A_465 : vector<16xi32> to vector<1x16xi32>
      tpu.vector_store %arg6[%swap3A_467, %swap3A_468], %swap3A_471 {strides = array<i32>} : memref<4x80xi32, #tpu.memory_space<vmem>>, vector<1x16xi32>,
      %get3A_472 = arith.constant 224 : index
      %get3A_473 = tpu.vector_load %arg5[%get3A_472] {strides = array<i32>} : memref<640xi32, #tpu.memory_space<vmem>>, vector<16xi32>,
      %get3A_474 = vector.shape_cast %get3A_473 : vector<16xi32> to vector<16xi32>
      %mul3A_475 = arith.constant 128 : i32
      %mul3A_476 = vector.broadcast %mul3A_475 : i32 to vector<16xi32>
      %mul3A_477 = arith.muli %get3A_474, %mul3A_476 : vector<16xi32>
      %get3A_478 = arith.constant 544 : index
      %get3A_479 = tpu.vector_load %arg5[%get3A_478] {strides = array<i32>} : memref<640xi32, #tpu.memory_space<vmem>>, vector<16xi32>,
      %get3A_480 = vector.shape_cast %get3A_479 : vector<16xi32> to vector<16xi32>
      %add3A_481 = arith.addi %mul3A_477, %get3A_480 : vector<16xi32>
      %add3A_482 = arith.constant 1 : i32
      %add3A_483 = vector.broadcast %add3A_482 : i32 to vector<16xi32>
      %add3A_484 = arith.addi %add3A_481, %add3A_483 : vector<16xi32>
      %swap3A_485 = arith.constant 2 : i32
      %swap3A_486 = arith.index_cast %swap3A_485 : i32 to index
      %swap3A_487 = arith.constant 64 : index
      %swap3A_488 = tpu.vector_load %arg6[%swap3A_486, %swap3A_487] {strides = array<i32>} : memref<4x80xi32, #tpu.memory_space<vmem>>, vector<1x16xi32>,
      %swap3A_489 = vector.shape_cast %swap3A_488 : vector<1x16xi32> to vector<16xi32>
      %swap3A_490 = vector.shape_cast %add3A_484 : vector<16xi32> to vector<1x16xi32>
      tpu.vector_store %arg6[%swap3A_486, %swap3A_487], %swap3A_490 {strides = array<i32>} : memref<4x80xi32, #tpu.memory_space<vmem>>, vector<1x16xi32>,
      %get3A_491 = arith.constant 240 : index
      %get3A_492 = tpu.vector_load %arg5[%get3A_491] {strides = array<i32>} : memref<640xi32, #tpu.memory_space<vmem>>, vector<16xi32>,
      %get3A_493 = vector.shape_cast %get3A_492 : vector<16xi32> to vector<16xi32>
      %mul3A_494 = arith.constant 128 : i32
      %mul3A_495 = vector.broadcast %mul3A_494 : i32 to vector<16xi32>
      %mul3A_496 = arith.muli %get3A_493, %mul3A_495 : vector<16xi32>
      %get3A_497 = arith.constant 560 : index
      %get3A_498 = tpu.vector_load %arg5[%get3A_497] {strides = array<i32>} : memref<640xi32, #tpu.memory_space<vmem>>, vector<16xi32>,
      %get3A_499 = vector.shape_cast %get3A_498 : vector<16xi32> to vector<16xi32>
      %add3A_500 = arith.addi %mul3A_496, %get3A_499 : vector<16xi32>
      %add3A_501 = arith.constant 1 : i32
      %add3A_502 = vector.broadcast %add3A_501 : i32 to vector<16xi32>
      %add3A_503 = arith.addi %add3A_500, %add3A_502 : vector<16xi32>
      %swap3A_504 = arith.constant 3 : i32
      %swap3A_505 = arith.index_cast %swap3A_504 : i32 to index
      %swap3A_506 = arith.constant 0 : index
      %swap3A_507 = tpu.vector_load %arg6[%swap3A_505, %swap3A_506] {strides = array<i32>} : memref<4x80xi32, #tpu.memory_space<vmem>>, vector<1x16xi32>,
      %swap3A_508 = vector.shape_cast %swap3A_507 : vector<1x16xi32> to vector<16xi32>
      %swap3A_509 = vector.shape_cast %add3A_503 : vector<16xi32> to vector<1x16xi32>
      tpu.vector_store %arg6[%swap3A_505, %swap3A_506], %swap3A_509 {strides = array<i32>} : memref<4x80xi32, #tpu.memory_space<vmem>>, vector<1x16xi32>,
      %get3A_510 = arith.constant 256 : index
      %get3A_511 = tpu.vector_load %arg5[%get3A_510] {strides = array<i32>} : memref<640xi32, #tpu.memory_space<vmem>>, vector<16xi32>,
      %get3A_512 = vector.shape_cast %get3A_511 : vector<16xi32> to vector<16xi32>
      %mul3A_513 = arith.constant 128 : i32
      %mul3A_514 = vector.broadcast %mul3A_513 : i32 to vector<16xi32>
      %mul3A_515 = arith.muli %get3A_512, %mul3A_514 : vector<16xi32>
      %get3A_516 = arith.constant 576 : index
      %get3A_517 = tpu.vector_load %arg5[%get3A_516] {strides = array<i32>} : memref<640xi32, #tpu.memory_space<vmem>>, vector<16xi32>,
      %get3A_518 = vector.shape_cast %get3A_517 : vector<16xi32> to vector<16xi32>
      %add3A_519 = arith.addi %mul3A_515, %get3A_518 : vector<16xi32>
      %add3A_520 = arith.constant 1 : i32
      %add3A_521 = vector.broadcast %add3A_520 : i32 to vector<16xi32>
      %add3A_522 = arith.addi %add3A_519, %add3A_521 : vector<16xi32>
      %swap3A_523 = arith.constant 3 : i32
      %swap3A_524 = arith.index_cast %swap3A_523 : i32 to index
      %swap3A_525 = arith.constant 16 : index
      %swap3A_526 = tpu.vector_load %arg6[%swap3A_524, %swap3A_525] {strides = array<i32>} : memref<4x80xi32, #tpu.memory_space<vmem>>, vector<1x16xi32>,
      %swap3A_527 = vector.shape_cast %swap3A_526 : vector<1x16xi32> to vector<16xi32>
      %swap3A_528 = vector.shape_cast %add3A_522 : vector<16xi32> to vector<1x16xi32>
      tpu.vector_store %arg6[%swap3A_524, %swap3A_525], %swap3A_528 {strides = array<i32>} : memref<4x80xi32, #tpu.memory_space<vmem>>, vector<1x16xi32>,
      %get3A_529 = arith.constant 272 : index
      %get3A_530 = tpu.vector_load %arg5[%get3A_529] {strides = array<i32>} : memref<640xi32, #tpu.memory_space<vmem>>, vector<16xi32>,
      %get3A_531 = vector.shape_cast %get3A_530 : vector<16xi32> to vector<16xi32>
      %mul3A_532 = arith.constant 128 : i32
      %mul3A_533 = vector.broadcast %mul3A_532 : i32 to vector<16xi32>
      %mul3A_534 = arith.muli %get3A_531, %mul3A_533 : vector<16xi32>
      %get3A_535 = arith.constant 592 : index
      %get3A_536 = tpu.vector_load %arg5[%get3A_535] {strides = array<i32>} : memref<640xi32, #tpu.memory_space<vmem>>, vector<16xi32>,
      %get3A_537 = vector.shape_cast %get3A_536 : vector<16xi32> to vector<16xi32>
      %add3A_538 = arith.addi %mul3A_534, %get3A_537 : vector<16xi32>
      %add3A_539 = arith.constant 1 : i32
      %add3A_540 = vector.broadcast %add3A_539 : i32 to vector<16xi32>
      %add3A_541 = arith.addi %add3A_538, %add3A_540 : vector<16xi32>
      %swap3A_542 = arith.constant 3 : i32
      %swap3A_543 = arith.index_cast %swap3A_542 : i32 to index
      %swap3A_544 = arith.constant 32 : index
      %swap3A_545 = tpu.vector_load %arg6[%swap3A_543, %swap3A_544] {strides = array<i32>} : memref<4x80xi32, #tpu.memory_space<vmem>>, vector<1x16xi32>,
      %swap3A_546 = vector.shape_cast %swap3A_545 : vector<1x16xi32> to vector<16xi32>
      %swap3A_547 = vector.shape_cast %add3A_541 : vector<16xi32> to vector<1x16xi32>
      tpu.vector_store %arg6[%swap3A_543, %swap3A_544], %swap3A_547 {strides = array<i32>} : memref<4x80xi32, #tpu.memory_space<vmem>>, vector<1x16xi32>,
      %get3A_548 = arith.constant 288 : index
      %get3A_549 = tpu.vector_load %arg5[%get3A_548] {strides = array<i32>} : memref<640xi32, #tpu.memory_space<vmem>>, vector<16xi32>,
      %get3A_550 = vector.shape_cast %get3A_549 : vector<16xi32> to vector<16xi32>
      %mul3A_551 = arith.constant 128 : i32
      %mul3A_552 = vector.broadcast %mul3A_551 : i32 to vector<16xi32>
      %mul3A_553 = arith.muli %get3A_550, %mul3A_552 : vector<16xi32>
      %get3A_554 = arith.constant 608 : index
      %get3A_555 = tpu.vector_load %arg5[%get3A_554] {strides = array<i32>} : memref<640xi32, #tpu.memory_space<vmem>>, vector<16xi32>,
      %get3A_556 = vector.shape_cast %get3A_555 : vector<16xi32> to vector<16xi32>
      %add3A_557 = arith.addi %mul3A_553, %get3A_556 : vector<16xi32>
      %add3A_558 = arith.constant 1 : i32
      %add3A_559 = vector.broadcast %add3A_558 : i32 to vector<16xi32>
      %add3A_560 = arith.addi %add3A_557, %add3A_559 : vector<16xi32>
      %swap3A_561 = arith.constant 3 : i32
      %swap3A_562 = arith.index_cast %swap3A_561 : i32 to index
      %swap3A_563 = arith.constant 48 : index
      %swap3A_564 = tpu.vector_load %arg6[%swap3A_562, %swap3A_563] {strides = array<i32>} : memref<4x80xi32, #tpu.memory_space<vmem>>, vector<1x16xi32>,
      %swap3A_565 = vector.shape_cast %swap3A_564 : vector<1x16xi32> to vector<16xi32>
      %swap3A_566 = vector.shape_cast %add3A_560 : vector<16xi32> to vector<1x16xi32>
      tpu.vector_store %arg6[%swap3A_562, %swap3A_563], %swap3A_566 {strides = array<i32>} : memref<4x80xi32, #tpu.memory_space<vmem>>, vector<1x16xi32>,
      %get3A_567 = arith.constant 304 : index
      %get3A_568 = tpu.vector_load %arg5[%get3A_567] {strides = array<i32>} : memref<640xi32, #tpu.memory_space<vmem>>, vector<16xi32>,
      %get3A_569 = vector.shape_cast %get3A_568 : vector<16xi32> to vector<16xi32>
      %mul3A_570 = arith.constant 128 : i32
      %mul3A_571 = vector.broadcast %mul3A_570 : i32 to vector<16xi32>
      %mul3A_572 = arith.muli %get3A_569, %mul3A_571 : vector<16xi32>
      %get3A_573 = arith.constant 624 : index
      %get3A_574 = tpu.vector_load %arg5[%get3A_573] {strides = array<i32>} : memref<640xi32, #tpu.memory_space<vmem>>, vector<16xi32>,
      %get3A_575 = vector.shape_cast %get3A_574 : vector<16xi32> to vector<16xi32>
      %add3A_576 = arith.addi %mul3A_572, %get3A_575 : vector<16xi32>
      %add3A_577 = arith.constant 1 : i32
      %add3A_578 = vector.broadcast %add3A_577 : i32 to vector<16xi32>
      %add3A_579 = arith.addi %add3A_576, %add3A_578 : vector<16xi32>
      %lt3A_580 = arith.constant 8 : i32
      %lt3A_581 = vector.broadcast %lt3A_580 : i32 to vector<16xi32>
      %lt3A_582 = arith.cmpi slt, %iota3A, %lt3A_581 : vector<16xi32>
      %jit3A = arith.constant 75775 : i32
      %broadcast_in_dim3A_583 = vector.broadcast %jit3A : i32 to vector<16xi32>
      %select_n3A = arith.select %lt3A_582, %add3A_579, %broadcast_in_dim3A_583 : vector<16xi1>, vector<16xi32>
      %swap3A_584 = arith.constant 3 : i32
      %swap3A_585 = arith.index_cast %swap3A_584 : i32 to index
      %swap3A_586 = arith.constant 64 : index
      %swap3A_587 = tpu.vector_load %arg6[%swap3A_585, %swap3A_586] {strides = array<i32>} : memref<4x80xi32, #tpu.memory_space<vmem>>, vector<1x16xi32>,
      %swap3A_588 = vector.shape_cast %swap3A_587 : vector<1x16xi32> to vector<16xi32>
      %swap3A_589 = vector.shape_cast %select_n3A : vector<16xi32> to vector<1x16xi32>
      tpu.vector_store %arg6[%swap3A_585, %swap3A_586], %swap3A_589 {strides = array<i32>} : memref<4x80xi32, #tpu.memory_space<vmem>>, vector<1x16xi32>,
    } else {
    }
    %ge3A = arith.constant 15 : i32
    %ge3A_176 = arith.cmpi sge, %add3A, %ge3A : i32
    %convert_element_type3A_177 = arith.extui %ge3A_176 : i1 to i32
    %cond3A_178 = arith.constant 0 : i32
    %cond3A_179 = arith.cmpi ne, %convert_element_type3A_177, %cond3A_178 : i32
    scf.if %cond3A_179 {
      %dma_wait3A = tpu.memref_slice %arg9[%mul3A_170] : memref<75776xf32, #tpu.memory_space<vmem_shared>> -> memref<4736xf32, #tpu.memory_space<vmem_shared>>
      %dma_wait3A_190 = tpu.memref_slice %arg9[%mul3A_170] : memref<75776xf32, #tpu.memory_space<vmem_shared>> -> memref<4736xf32, #tpu.memory_space<vmem_shared>>
      tpu.wait_dma2 semaphore(%arg10 : memref<!tpu.dma_semaphore, #tpu.memory_space<semaphore_mem>>) src(%arg8 : memref<4736xf32, #tpu.memory_space<vmem>>) dst(%dma_wait3A_190 : memref<4736xf32, #tpu.memory_space<vmem_shared>>)
    } else {
    }
    %barrier3A = arith.constant 0 : index
    tpu.barrier barrier_id(%barrier3A)
    %lt3A_180 = arith.constant 15 : i32
    %lt3A_181 = arith.cmpi slt, %add3A, %lt3A_180 : i32
    %convert_element_type3A_182 = arith.extui %lt3A_181 : i1 to i32
    %cond3A_183 = arith.constant 0 : i32
    %cond3A_184 = arith.cmpi ne, %convert_element_type3A_182, %cond3A_183 : i32
    scf.if %cond3A_184 {
      %dma_start3A_190 = arith.constant 0 : i32
      %dma_start3A_191 = arith.constant 0 : i32
      %dma_start3A_192 = arith.constant 0 : i32
      %dma_start3A_193 = tpu.memref_slice %arg7[%dma_start3A_190, %dma_start3A_192] : memref<4x80xf32, #tpu.memory_space<vmem>> -> memref<1x80xf32, #tpu.memory_space<vmem>>
      %dma_start3A_194 = tpu.memref_squeeze %dma_start3A_193 : memref<1x80xf32, #tpu.memory_space<vmem>> -> memref<80xf32, #tpu.memory_space<vmem>>
      %dma_start3A_195 = arith.constant 0 : i32
      %dma_start3A_196 = tpu.memref_slice %arg6[%dma_start3A_191, %dma_start3A_195] : memref<4x80xi32, #tpu.memory_space<vmem>> -> memref<1x80xi32, #tpu.memory_space<vmem>>
      %dma_start3A_197 = tpu.memref_squeeze %dma_start3A_196 : memref<1x80xi32, #tpu.memory_space<vmem>> -> memref<80xi32, #tpu.memory_space<vmem>>
      %dma_start3A_198 = arith.constant 0 : i32
      %dma_start3A_199 = tpu.memref_slice %arg9[%dma_start3A_198] : memref<75776xf32, #tpu.memory_space<vmem_shared>> -> memref<75776xf32, #tpu.memory_space<vmem_shared>>
      tpu.enqueue_indirect_dma source(%dma_start3A_194 : memref<80xf32, #tpu.memory_space<vmem>>) target(%dma_start3A_199 : memref<75776xf32, #tpu.memory_space<vmem_shared>>) offsets(%dma_start3A_197 : memref<80xi32, #tpu.memory_space<vmem>>) semaphore(%arg10 : memref<!tpu.dma_semaphore, #tpu.memory_space<semaphore_mem>>) {add = true}
      %dma_start3A_200 = arith.constant 1 : i32
      %dma_start3A_201 = arith.constant 1 : i32
      %dma_start3A_202 = arith.constant 0 : i32
      %dma_start3A_203 = tpu.memref_slice %arg7[%dma_start3A_200, %dma_start3A_202] : memref<4x80xf32, #tpu.memory_space<vmem>> -> memref<1x80xf32, #tpu.memory_space<vmem>>
      %dma_start3A_204 = tpu.memref_squeeze %dma_start3A_203 : memref<1x80xf32, #tpu.memory_space<vmem>> -> memref<80xf32, #tpu.memory_space<vmem>>
      %dma_start3A_205 = arith.constant 0 : i32
      %dma_start3A_206 = tpu.memref_slice %arg6[%dma_start3A_201, %dma_start3A_205] : memref<4x80xi32, #tpu.memory_space<vmem>> -> memref<1x80xi32, #tpu.memory_space<vmem>>
      %dma_start3A_207 = tpu.memref_squeeze %dma_start3A_206 : memref<1x80xi32, #tpu.memory_space<vmem>> -> memref<80xi32, #tpu.memory_space<vmem>>
      %dma_start3A_208 = arith.constant 0 : i32
      %dma_start3A_209 = tpu.memref_slice %arg9[%dma_start3A_208] : memref<75776xf32, #tpu.memory_space<vmem_shared>> -> memref<75776xf32, #tpu.memory_space<vmem_shared>>
      tpu.enqueue_indirect_dma source(%dma_start3A_204 : memref<80xf32, #tpu.memory_space<vmem>>) target(%dma_start3A_209 : memref<75776xf32, #tpu.memory_space<vmem_shared>>) offsets(%dma_start3A_207 : memref<80xi32, #tpu.memory_space<vmem>>) semaphore(%arg10 : memref<!tpu.dma_semaphore, #tpu.memory_space<semaphore_mem>>) {add = true}
      %dma_start3A_210 = arith.constant 2 : i32
      %dma_start3A_211 = arith.constant 2 : i32
      %dma_start3A_212 = arith.constant 0 : i32
      %dma_start3A_213 = tpu.memref_slice %arg7[%dma_start3A_210, %dma_start3A_212] : memref<4x80xf32, #tpu.memory_space<vmem>> -> memref<1x80xf32, #tpu.memory_space<vmem>>
      %dma_start3A_214 = tpu.memref_squeeze %dma_start3A_213 : memref<1x80xf32, #tpu.memory_space<vmem>> -> memref<80xf32, #tpu.memory_space<vmem>>
      %dma_start3A_215 = arith.constant 0 : i32
      %dma_start3A_216 = tpu.memref_slice %arg6[%dma_start3A_211, %dma_start3A_215] : memref<4x80xi32, #tpu.memory_space<vmem>> -> memref<1x80xi32, #tpu.memory_space<vmem>>
      %dma_start3A_217 = tpu.memref_squeeze %dma_start3A_216 : memref<1x80xi32, #tpu.memory_space<vmem>> -> memref<80xi32, #tpu.memory_space<vmem>>
      %dma_start3A_218 = arith.constant 0 : i32
      %dma_start3A_219 = tpu.memref_slice %arg9[%dma_start3A_218] : memref<75776xf32, #tpu.memory_space<vmem_shared>> -> memref<75776xf32, #tpu.memory_space<vmem_shared>>
      tpu.enqueue_indirect_dma source(%dma_start3A_214 : memref<80xf32, #tpu.memory_space<vmem>>) target(%dma_start3A_219 : memref<75776xf32, #tpu.memory_space<vmem_shared>>) offsets(%dma_start3A_217 : memref<80xi32, #tpu.memory_space<vmem>>) semaphore(%arg10 : memref<!tpu.dma_semaphore, #tpu.memory_space<semaphore_mem>>) {add = true}
      %dma_start3A_220 = arith.constant 3 : i32
      %dma_start3A_221 = arith.constant 3 : i32
      %dma_start3A_222 = arith.constant 0 : i32
      %dma_start3A_223 = tpu.memref_slice %arg7[%dma_start3A_220, %dma_start3A_222] : memref<4x80xf32, #tpu.memory_space<vmem>> -> memref<1x80xf32, #tpu.memory_space<vmem>>
      %dma_start3A_224 = tpu.memref_squeeze %dma_start3A_223 : memref<1x80xf32, #tpu.memory_space<vmem>> -> memref<80xf32, #tpu.memory_space<vmem>>
      %dma_start3A_225 = arith.constant 0 : i32
      %dma_start3A_226 = tpu.memref_slice %arg6[%dma_start3A_221, %dma_start3A_225] : memref<4x80xi32, #tpu.memory_space<vmem>> -> memref<1x80xi32, #tpu.memory_space<vmem>>
      %dma_start3A_227 = tpu.memref_squeeze %dma_start3A_226 : memref<1x80xi32, #tpu.memory_space<vmem>> -> memref<80xi32, #tpu.memory_space<vmem>>
      %dma_start3A_228 = arith.constant 0 : i32
      %dma_start3A_229 = tpu.memref_slice %arg9[%dma_start3A_228] : memref<75776xf32, #tpu.memory_space<vmem_shared>> -> memref<75776xf32, #tpu.memory_space<vmem_shared>>
      tpu.enqueue_indirect_dma source(%dma_start3A_224 : memref<80xf32, #tpu.memory_space<vmem>>) target(%dma_start3A_229 : memref<75776xf32, #tpu.memory_space<vmem_shared>>) offsets(%dma_start3A_227 : memref<80xi32, #tpu.memory_space<vmem>>) semaphore(%arg10 : memref<!tpu.dma_semaphore, #tpu.memory_space<semaphore_mem>>) {add = true}
      %dma_wait3A = arith.constant 0 : i32
      %dma_wait3A_230 = arith.constant 0 : i32
      %dma_wait3A_231 = arith.constant 0 : i32
      %dma_wait3A_232 = tpu.memref_slice %arg7[%dma_wait3A, %dma_wait3A_231] : memref<4x80xf32, #tpu.memory_space<vmem>> -> memref<1x80xf32, #tpu.memory_space<vmem>>
      %dma_wait3A_233 = tpu.memref_squeeze %dma_wait3A_232 : memref<1x80xf32, #tpu.memory_space<vmem>> -> memref<80xf32, #tpu.memory_space<vmem>>
      %dma_wait3A_234 = arith.constant 0 : i32
      %dma_wait3A_235 = tpu.memref_slice %arg6[%dma_wait3A_230, %dma_wait3A_234] : memref<4x80xi32, #tpu.memory_space<vmem>> -> memref<1x80xi32, #tpu.memory_space<vmem>>
      %dma_wait3A_236 = tpu.memref_squeeze %dma_wait3A_235 : memref<1x80xi32, #tpu.memory_space<vmem>> -> memref<80xi32, #tpu.memory_space<vmem>>
      %dma_wait3A_237 = arith.constant 0 : i32
      %dma_wait3A_238 = tpu.memref_slice %arg9[%dma_wait3A_237] : memref<75776xf32, #tpu.memory_space<vmem_shared>> -> memref<75776xf32, #tpu.memory_space<vmem_shared>>
      tpu.wait_indirect_dma semaphore(%arg10 : memref<!tpu.dma_semaphore, #tpu.memory_space<semaphore_mem>>) src(%dma_wait3A_233 : memref<80xf32, #tpu.memory_space<vmem>>) dst(%dma_wait3A_238 : memref<75776xf32, #tpu.memory_space<vmem_shared>>)
      %dma_wait3A_239 = arith.constant 1 : i32
      %dma_wait3A_240 = arith.constant 1 : i32
      %dma_wait3A_241 = arith.constant 0 : i32
      %dma_wait3A_242 = tpu.memref_slice %arg7[%dma_wait3A_239, %dma_wait3A_241] : memref<4x80xf32, #tpu.memory_space<vmem>> -> memref<1x80xf32, #tpu.memory_space<vmem>>
      %dma_wait3A_243 = tpu.memref_squeeze %dma_wait3A_242 : memref<1x80xf32, #tpu.memory_space<vmem>> -> memref<80xf32, #tpu.memory_space<vmem>>
      %dma_wait3A_244 = arith.constant 0 : i32
      %dma_wait3A_245 = tpu.memref_slice %arg6[%dma_wait3A_240, %dma_wait3A_244] : memref<4x80xi32, #tpu.memory_space<vmem>> -> memref<1x80xi32, #tpu.memory_space<vmem>>
      %dma_wait3A_246 = tpu.memref_squeeze %dma_wait3A_245 : memref<1x80xi32, #tpu.memory_space<vmem>> -> memref<80xi32, #tpu.memory_space<vmem>>
      %dma_wait3A_247 = arith.constant 0 : i32
      %dma_wait3A_248 = tpu.memref_slice %arg9[%dma_wait3A_247] : memref<75776xf32, #tpu.memory_space<vmem_shared>> -> memref<75776xf32, #tpu.memory_space<vmem_shared>>
      tpu.wait_indirect_dma semaphore(%arg10 : memref<!tpu.dma_semaphore, #tpu.memory_space<semaphore_mem>>) src(%dma_wait3A_243 : memref<80xf32, #tpu.memory_space<vmem>>) dst(%dma_wait3A_248 : memref<75776xf32, #tpu.memory_space<vmem_shared>>)
      %dma_wait3A_249 = arith.constant 2 : i32
      %dma_wait3A_250 = arith.constant 2 : i32
      %dma_wait3A_251 = arith.constant 0 : i32
      %dma_wait3A_252 = tpu.memref_slice %arg7[%dma_wait3A_249, %dma_wait3A_251] : memref<4x80xf32, #tpu.memory_space<vmem>> -> memref<1x80xf32, #tpu.memory_space<vmem>>
      %dma_wait3A_253 = tpu.memref_squeeze %dma_wait3A_252 : memref<1x80xf32, #tpu.memory_space<vmem>> -> memref<80xf32, #tpu.memory_space<vmem>>
      %dma_wait3A_254 = arith.constant 0 : i32
      %dma_wait3A_255 = tpu.memref_slice %arg6[%dma_wait3A_250, %dma_wait3A_254] : memref<4x80xi32, #tpu.memory_space<vmem>> -> memref<1x80xi32, #tpu.memory_space<vmem>>
      %dma_wait3A_256 = tpu.memref_squeeze %dma_wait3A_255 : memref<1x80xi32, #tpu.memory_space<vmem>> -> memref<80xi32, #tpu.memory_space<vmem>>
      %dma_wait3A_257 = arith.constant 0 : i32
      %dma_wait3A_258 = tpu.memref_slice %arg9[%dma_wait3A_257] : memref<75776xf32, #tpu.memory_space<vmem_shared>> -> memref<75776xf32, #tpu.memory_space<vmem_shared>>
      tpu.wait_indirect_dma semaphore(%arg10 : memref<!tpu.dma_semaphore, #tpu.memory_space<semaphore_mem>>) src(%dma_wait3A_253 : memref<80xf32, #tpu.memory_space<vmem>>) dst(%dma_wait3A_258 : memref<75776xf32, #tpu.memory_space<vmem_shared>>)
      %dma_wait3A_259 = arith.constant 3 : i32
      %dma_wait3A_260 = arith.constant 3 : i32
      %dma_wait3A_261 = arith.constant 0 : i32
      %dma_wait3A_262 = tpu.memref_slice %arg7[%dma_wait3A_259, %dma_wait3A_261] : memref<4x80xf32, #tpu.memory_space<vmem>> -> memref<1x80xf32, #tpu.memory_space<vmem>>
      %dma_wait3A_263 = tpu.memref_squeeze %dma_wait3A_262 : memref<1x80xf32, #tpu.memory_space<vmem>> -> memref<80xf32, #tpu.memory_space<vmem>>
      %dma_wait3A_264 = arith.constant 0 : i32
      %dma_wait3A_265 = tpu.memref_slice %arg6[%dma_wait3A_260, %dma_wait3A_264] : memref<4x80xi32, #tpu.memory_space<vmem>> -> memref<1x80xi32, #tpu.memory_space<vmem>>
      %dma_wait3A_266 = tpu.memref_squeeze %dma_wait3A_265 : memref<1x80xi32, #tpu.memory_space<vmem>> -> memref<80xi32, #tpu.memory_space<vmem>>
      %dma_wait3A_267 = arith.constant 0 : i32
      %dma_wait3A_268 = tpu.memref_slice %arg9[%dma_wait3A_267] : memref<75776xf32, #tpu.memory_space<vmem_shared>> -> memref<75776xf32, #tpu.memory_space<vmem_shared>>
      tpu.wait_indirect_dma semaphore(%arg10 : memref<!tpu.dma_semaphore, #tpu.memory_space<semaphore_mem>>) src(%dma_wait3A_263 : memref<80xf32, #tpu.memory_space<vmem>>) dst(%dma_wait3A_268 : memref<75776xf32, #tpu.memory_space<vmem_shared>>)
    } else {
    }
    %barrier3A_185 = arith.constant 0 : index
    tpu.barrier barrier_id(%barrier3A_185)
    %mul3A_186 = arith.constant 4736 : i32
    %mul3A_187 = arith.muli %arg1, %mul3A_186 : i32
    %mul3A_188 = arith.constant 4736 : i32
    %mul3A_189 = arith.muli %arg1, %mul3A_188 : i32
    "tpu.region"() ({
      %run_scoped3A = tpu.sem_alloc : memref<!tpu.dma_semaphore, #tpu.memory_space<semaphore_mem>>
      %dma_start3A_190 = tpu.memref_slice %arg4[%mul3A_189] : memref<75776xf32, #tpu.memory_space<hbm>> -> memref<4736xf32, #tpu.memory_space<hbm>>
      %dma_start3A_191 = tpu.memref_slice %arg9[%mul3A_187] : memref<75776xf32, #tpu.memory_space<vmem_shared>> -> memref<4736xf32, #tpu.memory_space<vmem_shared>>
      tpu.enqueue_dma source(%dma_start3A_191 : memref<4736xf32, #tpu.memory_space<vmem_shared>>) target(%dma_start3A_190 : memref<4736xf32, #tpu.memory_space<hbm>>) target_semaphore(%run_scoped3A : memref<!tpu.dma_semaphore, #tpu.memory_space<semaphore_mem>>)
      %dma_wait3A = tpu.memref_slice %arg4[%mul3A_189] : memref<75776xf32, #tpu.memory_space<hbm>> -> memref<4736xf32, #tpu.memory_space<hbm>>
      %dma_wait3A_192 = tpu.memref_slice %arg9[%mul3A_187] : memref<75776xf32, #tpu.memory_space<vmem_shared>> -> memref<4736xf32, #tpu.memory_space<vmem_shared>>
      tpu.wait_dma2 semaphore(%run_scoped3A : memref<!tpu.dma_semaphore, #tpu.memory_space<semaphore_mem>>) src(%dma_wait3A_192 : memref<4736xf32, #tpu.memory_space<vmem_shared>>) dst(%dma_wait3A : memref<4736xf32, #tpu.memory_space<hbm>>)
      tpu.yield
    }) : () -> ()
    return
  }
}

module attributes {stable_mosaic.version = 14 : i64} {
  func.func @_tc_gcn_body(%arg0: memref<592x128xf32, #tpu.memory_space<vmem>>, %arg1: memref<673x128xf32, #tpu.memory_space<vmem>>, %arg2: memref<673x128xf32, #tpu.memory_space<vmem>>) attributes {dimension_semantics = [], scalar_prefetch = 0 : i64, scratch_operands = 0 : i64, tpu.core_type = #tpu.core_type<tc>} {
    %get3A = arith.constant 0 : index
    %get3A_0 = arith.constant 0 : index
    %get3A_1 = vector.load %arg0[%get3A, %get3A_0] : memref<592x128xf32, #tpu.memory_space<vmem>>, vector<592x128xf32>
    %reduce_sum3A = arith.constant dense<0.000000e+00> : vector<592xf32>
    %reduce_sum3A_2 = vector.multi_reduction <add>, %get3A_1, %reduce_sum3A [1] : vector<592x128xf32> to vector<592xf32>
    %broadcast_in_dim3A = vector.shape_cast %reduce_sum3A_2 : vector<592xf32> to vector<592x1xf32>
    %reduce_sum3A_3 = arith.constant dense<0.000000e+00> : vector<128xf32>
    %reduce_sum3A_4 = vector.multi_reduction <add>, %get3A_1, %reduce_sum3A_3 [0] : vector<592x128xf32> to vector<128xf32>
    %broadcast_in_dim3A_5 = vector.shape_cast %reduce_sum3A_4 : vector<128xf32> to vector<1x128xf32>
    %add3A = arith.constant 9.99999993E-9 : f32
    %add3A_6 = vector.broadcast %add3A : f32 to vector<592x1xf32>
    %add3A_7 = arith.addf %broadcast_in_dim3A, %add3A_6 : vector<592x1xf32>
    %rsqrt3A = math.rsqrt %add3A_7 : vector<592x1xf32>
    %add3A_8 = arith.constant 9.99999993E-9 : f32
    %add3A_9 = vector.broadcast %add3A_8 : f32 to vector<1x128xf32>
    %add3A_10 = arith.addf %broadcast_in_dim3A_5, %add3A_9 : vector<1x128xf32>
    %rsqrt3A_11 = math.rsqrt %add3A_10 : vector<1x128xf32>
    %mul3A = vector.broadcast %rsqrt3A : vector<592x1xf32> to vector<592x128xf32>
    %mul3A_12 = vector.broadcast %rsqrt3A_11 : vector<1x128xf32> to vector<592x128xf32>
    %mul3A_13 = arith.mulf %mul3A, %mul3A_12 : vector<592x128xf32>
    %mul3A_14 = arith.mulf %get3A_1, %mul3A_13 : vector<592x128xf32>
    %get3A_15 = arith.constant 0 : index
    %get3A_16 = arith.constant 0 : index
    %get3A_17 = vector.load %arg1[%get3A_15, %get3A_16] : memref<673x128xf32, #tpu.memory_space<vmem>>, vector<673x128xf32>
    %slice3A = vector.extract_strided_slice %get3A_17 {offsets = [0, 0], sizes = [592, 128], strides = [1, 1]} : vector<673x128xf32> to vector<592x128xf32>
    %slice3A_18 = vector.extract_strided_slice %get3A_17 {offsets = [584, 0], sizes = [89, 128], strides = [1, 1]} : vector<673x128xf32> to vector<89x128xf32>
    %broadcast_in_dim3A_19 = arith.constant 0.000000e+00 : f32
    %broadcast_in_dim3A_20 = vector.broadcast %broadcast_in_dim3A_19 : f32 to vector<39x128xf32>
    %concatenate3A = tpu.concatenate %slice3A_18, %broadcast_in_dim3A_20 in 0 : vector<89x128xf32>, vector<39x128xf32> -> vector<128x128xf32>
    %dot_general3A = arith.constant dense<0.000000e+00> : vector<592x128xf32>
    %dot_general3A_21 = tpu.matmul %mul3A_14, %concatenate3A, %dot_general3A {dimension_numbers = #tpu.dot_dimension_numbers<[1], [0], [0], [1], [0, 0, 1, 1], [], []>, transpose_lhs_hint = false} : vector<592x128xf32>, vector<128x128xf32>, vector<592x128xf32> -> vector<592x128xf32>
    %dot_general3A_22 = arith.constant dense<0.000000e+00> : vector<128x128xf32>
    %dot_general3A_23 = tpu.matmul %mul3A_14, %slice3A, %dot_general3A_22 {dimension_numbers = #tpu.dot_dimension_numbers<[0], [0], [1], [1], [0, 1, 1, 1], [], []>, transpose_lhs_hint = false} : vector<592x128xf32>, vector<592x128xf32>, vector<128x128xf32> -> vector<128x128xf32>
    %dot_general3A_24 = arith.constant dense<0.000000e+00> : vector<592x128xf32>
    %dot_general3A_25 = tpu.matmul %mul3A_14, %dot_general3A_23, %dot_general3A_24 {dimension_numbers = #tpu.dot_dimension_numbers<[1], [0], [0], [1], [0, 0, 1, 1], [], []>, transpose_lhs_hint = false} : vector<592x128xf32>, vector<128x128xf32>, vector<592x128xf32> -> vector<592x128xf32>
    %dot_general3A_26 = arith.constant dense<0.000000e+00> : vector<128x128xf32>
    %dot_general3A_27 = tpu.matmul %mul3A_14, %dot_general3A_21, %dot_general3A_26 {dimension_numbers = #tpu.dot_dimension_numbers<[0], [0], [1], [1], [0, 1, 1, 1], [], []>, transpose_lhs_hint = false} : vector<592x128xf32>, vector<592x128xf32>, vector<128x128xf32> -> vector<128x128xf32>
    %dot_general3A_28 = arith.constant dense<0.000000e+00> : vector<592x128xf32>
    %dot_general3A_29 = tpu.matmul %mul3A_14, %dot_general3A_27, %dot_general3A_28 {dimension_numbers = #tpu.dot_dimension_numbers<[1], [0], [0], [1], [0, 0, 1, 1], [], []>, transpose_lhs_hint = false} : vector<592x128xf32>, vector<128x128xf32>, vector<592x128xf32> -> vector<592x128xf32>
    %dot_general3A_30 = arith.constant dense<0.000000e+00> : vector<128x128xf32>
    %dot_general3A_31 = tpu.matmul %mul3A_14, %dot_general3A_25, %dot_general3A_30 {dimension_numbers = #tpu.dot_dimension_numbers<[0], [0], [1], [1], [0, 1, 1, 1], [], []>, transpose_lhs_hint = false} : vector<592x128xf32>, vector<592x128xf32>, vector<128x128xf32> -> vector<128x128xf32>
    %add3A_32 = arith.addf %slice3A, %dot_general3A_21 : vector<592x128xf32>
    %add3A_33 = arith.addf %add3A_32, %dot_general3A_25 : vector<592x128xf32>
    %add3A_34 = arith.addf %add3A_33, %dot_general3A_29 : vector<592x128xf32>
    %mul3A_35 = arith.constant 2.500000e-01 : f32
    %mul3A_36 = vector.broadcast %mul3A_35 : f32 to vector<592x128xf32>
    %mul3A_37 = arith.mulf %mul3A_36, %add3A_34 : vector<592x128xf32>
    %add3A_38 = arith.addf %concatenate3A, %dot_general3A_23 : vector<128x128xf32>
    %add3A_39 = arith.addf %add3A_38, %dot_general3A_27 : vector<128x128xf32>
    %add3A_40 = arith.addf %add3A_39, %dot_general3A_31 : vector<128x128xf32>
    %mul3A_41 = arith.constant 2.500000e-01 : f32
    %mul3A_42 = vector.broadcast %mul3A_41 : f32 to vector<128x128xf32>
    %mul3A_43 = arith.mulf %mul3A_42, %add3A_40 : vector<128x128xf32>
    %slice3A_44 = vector.extract_strided_slice %mul3A_37 {offsets = [0, 0], sizes = [585, 128], strides = [1, 1]} : vector<592x128xf32> to vector<585x128xf32>
    %slice3A_45 = vector.extract_strided_slice %mul3A_43 {offsets = [1, 0], sizes = [88, 128], strides = [1, 1]} : vector<128x128xf32> to vector<88x128xf32>
    %concatenate3A_46 = tpu.concatenate %slice3A_44, %slice3A_45 in 0 : vector<585x128xf32>, vector<88x128xf32> -> vector<673x128xf32>
    %swap3A = arith.constant 0 : index
    %swap3A_47 = arith.constant 0 : index
    %swap3A_48 = vector.load %arg2[%swap3A, %swap3A_47] : memref<673x128xf32, #tpu.memory_space<vmem>>, vector<673x128xf32>
    tpu.vector_store %arg2[%swap3A, %swap3A_47], %concatenate3A_46 {strides = array<i32>} : memref<673x128xf32, #tpu.memory_space<vmem>>, vector<673x128xf32>,
    return
  }
}

</mosaic_0001>

<sc_bundles>
// kernel: kernel.4.cloned.1.call-start
scs
__scs_entry_jumppad:
0x0: {  	(pc) =	sbr.rel $0x88, $3  }
0x1: {  	(tag) =	ssettag $0x0;
	lr =	simm.s32 $0x1  }
0x2: {  	[smem:$0x3F9E] =	sst lr;
	_ =	strace $0xD0000000  }
0x3: {  	_ = 	snop  }
0x4: {  	_ = 	snop  }
0x5: {  	_ = 	snop  }
0x6: {  	_ = 	snop  }
0x7: {  	_ = 	snop  }
__scs_overlays_trampoline_lowered:
0x8: {  	[smem:$0x3FAD] =	sst s0  }
0x9: {  	[smem:$0x3FAE] =	sst s1  }
0xa: {  	[smem:$0x3FAF] =	sst s2  }
0xb: {  	[smem:$0x3FB0] =	sst s3  }
0xc: {  	[smem:$0x3FB1] =	sst s4  }
0xd: {  	[smem:$0x3FB2] =	sst s5  }
0xe: {  	[smem:$0x3FB3] =	sst s6  }
0xf: {  	[smem:$0x3FB4] =	sst s7  }
0x10: {  	[smem:$0x3FB5] =	sst s8  }
0x11: {  	[smem:$0x3FB6] =	sst s9;
	s0 =	simm.s32 @!p0 $0x0  }
0x12: {  	s1 =	sld [smem:$0x3F9C];
	s0 =	simm.s32 @p0 $0x1  }
0x13: {  	[smem:$0x3FB7] =	sst s0;
	s0 =	simm.s32 @!p1 $0x0  }
0x14: {  	s2 =	sld [smem:$0x3F9B];
	s0 =	simm.s32 @p1 $0x1  }
0x15: {  	[smem:$0x3FB8] =	sst s0;
	s0 =	simm.s32 @!p2 $0x0  }
0x16: {  	s3 =	sld [smem:$0x3FDB];
	s0 =	simm.s32 @p2 $0x1  }
0x17: {  	s4 =	simm.s32 $0x1BF5;
	[smem:$0x3FBA] =	sst s0  }
0x18: {  	s0 =	sld [smem:$0x3F9D];
	_ =	swait.ge [sflag:s4], $0x0  }
0x19: {  	s7 =	sld [smem:$0x3F9E]  }
0x1a: {  	s8 =	sadd.s32 $0xFFFFE003, lr  }
0x1b: {  	s9 =	sadd.s32 $0xFFFFFEF7, lr;
	s5 =	simm.s32 $0xFFFFFFFF;
	p2 =	slt.u32 s8, $0xFFFFF086  }
0x1c: {  	p1 =	slt.u32 s9, $0xF7A;
	s5 =	simm.s32 @!p2 $0x0  }
0x1d: {  	s5 =	simm.s32 @p1 $0x1;
	p0 =	seq.s32 s7, s2  }
0x1e: {  	s7 =	smul.u32 @!p0 $0xF7A, s2;
	p2 =	seq.s32 @!p0 s5, $0x0  }
0x1f: {  	s9 =	smul.u32 $0xF7A, s1;
	s8 =	simm.s32 @!p0 $0x1BF5;
	p2 =	por !p2, p0  }
0x20: {  	[sflag:s8] =	ssyncset.s32 @!p0 $0xFFFFF086;
	s6 =	sadd.s32 @!p0 s3, s7;
	s7 =	simm.s32 @!p0 $0x108  }
0x21: {  	s3 =	sadd.s32 s3, s9;
	s6 =	sadd.s32 @!p0 $0x88, s6;
	s7 =	simm.s32 @p2 $0x1082  }
0x22: {  	[simem:s7], [sflag:s8] =	dma.local @!p0 [hbm:s6], $0xF7A  }
0x23: {  	s9 =	sor.u32 $0xD0000000, s2;
	s6 =	simm.s32 $0x108;
	_ =	swait.ge @!p0 [sflag:s8], $0x0  }
0x24: {  	s3 =	sadd.s32 $0x88, s3;
	s6 =	simm.s32 @!p1 $0x1082;
	[sflag:s4] =	ssyncset.s32 $0xFFFFF086  }
0x25: {  	[simem:s6], [sflag:s4] =	dma.local [hbm:s3], $0xF7A  }
0x26: {  	[smem:$0x3F9E] =	sst s1;
	(tag) =	ssettag s2;
	_ =	strace s9  }
0x27: {  	s1 =	sld [smem:$0x3FAE]  }
0x28: {  	s2 =	sld [smem:$0x3FAF]  }
0x29: {  	s4 =	sld [smem:$0x3FB1]  }
0x2a: {  	p0 =	seq.s32 s5, $0x0;
	s5 =	sld [smem:$0x3FB2]  }
0x2b: {  	s6 =	sld [smem:$0x3FB3]  }
0x2c: {  	s7 =	sld [smem:$0x3FB4]  }
0x2d: {  	s3 =	simm.s32 $0x108;
	s8 =	sld [smem:$0x3FB5]  }
0x2e: {  	s3 =	simm.s32 @!p0 $0x1082;
	s9 =	sld [smem:$0x3FB6]  }
0x2f: {  	lr =	sadd.s32 s0, s3;
	s0 =	sld [smem:$0x3FAD]  }
0x30: {  	s3 =	sld [smem:$0x3FB0]  }
0x31: {  	[smem:$0x3FB9] =	sst s10  }
0x32: {  	s10 =	sld [smem:$0x3FB7];
	_ =	sdelay $0x3  }
0x33: {  	p0 =	seq.s32 s10, $0x1;
	s10 =	sld [smem:$0x3FB9];
	_ =	sdelay $0x3  }
0x34: {  	[smem:$0x3FB9] =	sst s10  }
0x35: {  	s10 =	sld [smem:$0x3FB8];
	_ =	sdelay $0x3  }
0x36: {  	p1 =	seq.s32 s10, $0x1;
	s10 =	sld [smem:$0x3FB9];
	_ =	sdelay $0x3  }
0x37: {  	[smem:$0x3FB9] =	sst s10  }
0x38: {  	s10 =	sld [smem:$0x3FBA]  }
0x39: {  	_ = 	snop;
	(pc) =	sbr.ind lr, $3  }
0x3a: {  	_ = 	snop  }
0x3b: {  	_ = 	snop  }
0x3c: {  	p2 =	seq.s32 s10, $0x1;
	s10 =	sld [smem:$0x3FB9]  }
0x3d: {  	_ =	shalt  }
0x3e: {  	_ =	shalt  }
0x3f: {  	_ =	shalt  }
0x40: {  	_ =	shalt  }
0x41: {  	_ =	shalt  }
0x42: {  	_ =	shalt  }
0x43: {  	_ =	shalt  }
0x44: {  	_ =	shalt  }
0x45: {  	_ =	shalt  }
0x46: {  	_ =	shalt  }
0x47: {  	_ =	shalt  }
0x48: {  	_ =	shalt  }
0x49: {  	_ =	shalt  }
0x4a: {  	_ =	shalt  }
0x4b: {  	_ =	shalt  }
0x4c: {  	_ =	shalt  }
0x4d: {  	_ =	shalt  }
0x4e: {  	_ =	shalt  }
0x4f: {  	_ =	shalt  }
0x50: {  	_ =	shalt  }
0x51: {  	_ =	shalt  }
0x52: {  	_ =	shalt  }
0x53: {  	_ =	shalt  }
0x54: {  	_ =	shalt  }
0x55: {  	_ =	shalt  }
0x56: {  	_ =	shalt  }
0x57: {  	_ =	shalt  }
0x58: {  	_ =	shalt  }
0x59: {  	_ =	shalt  }
0x5a: {  	_ =	shalt  }
0x5b: {  	_ =	shalt  }
0x5c: {  	_ =	shalt  }
0x5d: {  	_ =	shalt  }
0x5e: {  	_ =	shalt  }
0x5f: {  	_ =	shalt  }
0x60: {  	_ =	shalt  }
0x61: {  	_ =	shalt  }
0x62: {  	_ =	shalt  }
0x63: {  	_ =	shalt  }
0x64: {  	_ =	shalt  }
0x65: {  	_ =	shalt  }
0x66: {  	_ =	shalt  }
0x67: {  	_ =	shalt  }
0x68: {  	_ =	shalt  }
0x69: {  	_ =	shalt  }
0x6a: {  	_ =	shalt  }
0x6b: {  	_ =	shalt  }
0x6c: {  	_ =	shalt  }
0x6d: {  	_ =	shalt  }
0x6e: {  	_ =	shalt  }
0x6f: {  	_ =	shalt  }
0x70: {  	_ =	shalt  }
0x71: {  	_ =	shalt  }
0x72: {  	_ =	shalt  }
0x73: {  	_ =	shalt  }
0x74: {  	_ =	shalt  }
0x75: {  	_ =	shalt  }
0x76: {  	_ =	shalt  }
0x77: {  	_ =	shalt  }
0x78: {  	_ =	shalt  }
0x79: {  	_ =	shalt  }
0x7a: {  	_ =	shalt  }
0x7b: {  	_ =	shalt  }
0x7c: {  	_ =	shalt  }
0x7d: {  	_ =	shalt  }
0x7e: {  	_ =	shalt  }
0x7f: {  	_ =	shalt  }
0x80: {  	_ =	shalt  }
0x81: {  	_ =	shalt  }
0x82: {  	_ =	shalt  }
0x83: {  	_ =	shalt  }
0x84: {  	_ =	shalt  }
0x85: {  	_ =	shalt  }
0x86: {  	_ =	shalt  }
0x87: {  	_ =	shalt  }
.Lfunc_end0:
.L_simem_size_0:
called_computation_lowered:
.L_overlay_start_0:
0x88: {  	s0 =	sld [smem:$0x3FD9]  }
0x89: {  	s1 =	sld [smem:$0x3FFE];
	_ =	sdelay $0x3  }
0x8a: {  	s0 =	sadd.s32 s1, s0  }
0x8b: {  	[smem:$0x3FC5] =	sst s0  }
0x8c: {  	_ = 	snop  }
0x8d: {  	s0 =	sld [smem:$0x3FC8]  }
0x8e: {  	s17 =	sld [smem:$0x3FC7]  }
0x8f: {  	s2 =	sld [smem:$0x3FD0];
	(tm) =	ssettm $0x1  }
0x90: {  	s3 =	sld [smem:$0x3FFB];
	_ =	sdelay $0x3  }
0x91: {  	_ =	strace s3  }
0x92: {  	s3 =	sld [smem:$0x3FFC];
	_ =	sdelay $0x3  }
0x93: {  	_ =	strace s3  }
0x94: {  	s3 =	sld [smem:$0x3FFD];
	_ =	sdelay $0x3  }
0x95: {  	_ =	strace s3  }
0x96: {  	_ =	strace $0x8FFFFFFF  }
0x97: {  	s18 =	sld [smem:$0x3FDB];
	_ =	sdelay $0x1  }
0x98: {  	s4 =	simm.s32 $_scs_section_size  }
0x99: {  	s5 =	simm.s32 $_size__tile_overlayer_lowered;
	s6 =	simm.s32 $_tile_overlayer_lowered  }
0x9a: {  	s21 =	simm.s32 $0x1BFF;
	s20 =	sshll.u32 s6, $0x1;
	s3 =	sadd.s32 s4, s18  }
0x9b: {  	s7 =	simm.s32 $0x0;
	s19 =	sshll.u32 s5, $0x1;
	s5 =	sadd.s32 s20, s3  }
0x9c: {  	[timem:s7], [sflag:s21] =	dma.local [hbm:s5], s19  }
0x9d: {  	_ =	swait.ge [sflag:s21], s19  }
0x9e: {  	s4 =	ssub.s32 $0x0, s19;
	[sflag:s21] =	ssyncset.done $0x0  }
0x9f: {  	[sflag:s21] =	ssyncadd.s32 s4;
	_ =	sdelay $0x1  }
0xa0: {  	s22 =	simm.s32 $0x1B8B  }
0xa1: {  	_ =	swait.ge [sflag:s22], $0x1  }
0xa2: {  	[sflag:s22] =	ssyncset.done $0x0  }
0xa3: {  	s23 =	simm.s32 $0x1B8E;
	[sflag:s22] =	ssyncadd.s32 $0xFFFFFFFF  }
0xa4: {  	s24 =	simm.s32 $execute0_lowered;
	[smem:$0x3FD2] =	sst s23  }
0xa5: {  	s4 =	sshll.u32 s24, $0x1;
	_ =	strace $0x80000046;
	[dreg:$0x1] =	wrdreg $0xFFFFFFFF  }
0xa6: {  	s25 =	simm.s32 $_size_execute0_lowered;
	s3 =	sadd.s32 s3, s4;
	[dreg:$0x0] =	wrdreg $0x0  }
0xa7: {  	s4 =	sshll.u32 s25, $0x1;
	[dreg:$0x2] =	wrdreg s3  }
0xa8: {  	[dreg:$0x3] =	wrdreg s4  }
0xa9: {  	[dreg:$0x4] =	wrdreg $0xC0  }
0xaa: {  	_ =	task [dreg:s7], $0x5FFFF  }
0xab: {  	[dreg:$0x1] =	wrdreg $0xFFFFFFFF  }
0xac: {  	[dreg:$0x0] =	wrdreg $0x60  }
0xad: {  	[dreg:$0x2] =	wrdreg s0  }
0xae: {  	[dreg:$0x3] =	wrdreg s17  }
0xaf: {  	[dreg:$0x4] =	wrdreg s2  }
0xb0: {  	[dreg:$0x5] =	wrdreg $0x19000  }
0xb1: {  	[dreg:$0x6] =	wrdreg $0x9  }
0xb2: {  	_ =	task.clear_ibuf [dreg:s7], $0x7FFFF;
	_ =	strace $0x90000046  }
0xb3: {  	s26 =	simm.s32 $0x9;
	_ =	strace $0x80000048  }
0xb4: {  	_ =	swait.ge [sflag:s26], $0x1  }
0xb5: {  	[sflag:s26] =	ssyncadd.s32 $0xFFFFFFFF  }
0xb6: {  	_ =	strace $0x90000048  }
0xb7: {  	_ =	sfence  }
0xb8: {  	s28 =	sld [smem:$0x0];
	_ =	sdelay $0x1  }
0xb9: {  	s29 =	srdreg.scid  }
0xba: {  	s30 =	sshll.u32 s29, $0xD;
	s31 =	sshrl.u32 s29, $0x2  }
0xbb: {  	s1 =	sand.u32 $0x1, s29;
	s2 =	sand.u32 $0x4000, s30;
	s0 =	sadd.s32 s31, s28  }
0xbc: {  	s1 =	sor.u32 s2, s1;
	s0 =	sshll.u32 s0, $0x11  }
0xbd: {  	s0 =	sor.u32 s0, s1  }
0xbe: {  	s0 =	sadd.s32 $0x8F2B, s0  }
0xbf: {  	[sflag:s0] =	ssyncadd.remote.s32 $0x1  }
0xc0: {  	_ =	sfence.sel $0xFFFF  }
0xc1: {  	[dreg:$0x0] =	wrdreg $0xFFFFFFFF;
	(pc) =	sbr.abs _section_cstart, $3  }
0xc2: {  	[dreg:$0x1] =	wrdreg $0xFFFFFFFF  }
0xc3: {  	_ =	task.clear_ibuf [dreg:s7], $0x2FFFF;
	_ =	strace $0x9FFFFFFF  }
0xc4: {  	(tm) =	ssettm $0x7FFFFFFF  }
0xc5: {  	_ =	shalt  }
tec
execute0_lowered:
.L_overlay_start_1:
0x0: {  	(tag) =	ssettag $0x1  }
0x1: {  	s2 =	rddreg [dreg:$0x0]  }
0x2: {  	s3 =	rddreg [dreg:$0x1]  }
0x3: {  	s5 =	rddreg [dreg:$0x2];
	s0 =	stileid.u32  }
0x4: {  	s4 =	rddreg [dreg:$0x3];
	p0 =	seq.s32 s0, $0xF  }
0x5: {  	s1 =	rddreg [dreg:$0x4];
	s6 =	simm.s32 $0x0;
	s7 =	smul.u32 @!p0 $0x27, s0  }
0x6: {  	[smem:$0x7FF] =	sst s6  }
0x7: {  	_ =	strace $0x80000047;
	s6 =	simm.s32 @!p0 $0x0;
	s2 =	sadd.s32 @!p0 s2, s7  }
0x8: {  	[tilespmem:s6], [sflag:$0x1] =	stream.linear.gather @!p0 [hbm4b:s2+s6], $0x138, $0x38;
	[tilespmem:$0x2B80] =	vst v63  }
0x9: {  	s8 =	smul.u32 $0x1280, s0;
	s2 =	sadd.s32 @!p0 s3, s7;
	s3 =	simm.s32 @!p0 $0x140  }
0xa: {  	[tilespmem:s3], [sflag:$0x1] =	stream.linear.gather @!p0 [hbm4b:s2+s6], $0x138, $0x38;
	[tilespmem:$0x2B80] =	vst v63  }
0xb: {  	s31 =	sshrl.u32 s8, $0x3;
	s2 =	sadd.s32 s8, s4  }
0xc: {  	v0 =	vimm.f32 $0.0e+00;
	s3 =	sadd.s32 s5, s31;
	s5 =	simm.s32 $0x0;
	s6 =	simm.s32 $0x200  }
.LBB2_1:
0xd: {  	p0 =	sne.s32 s6, $0x4800;
	[tilespmem:s5+$0x6F0] =	vst v0  }
0xe: {  	[tilespmem:s5+$0x680] =	vst v0  }
0xf: {  	[tilespmem:s5+$0x690] =	vst v0  }
.Ltmp0:
0x10: {  	[tilespmem:s5+$0x6A0] =	vst v0;
	(pc) =	sbr.rel @p0 .LBB2_1-.Ltmp0, $4  }
0x11: {  	[tilespmem:s5+$0x6B0] =	vst v0  }
0x12: {  	[tilespmem:s5+$0x6C0] =	vst v0  }
0x13: {  	[tilespmem:s5+$0x6D0] =	vst v0  }
0x14: {  	[tilespmem:s5+$0x6E0] =	vst v0;
	s5 =	sshra.s32 s6, $0x2;
	s6 =	sadd.s32 $0x200, s6  }
0x15: {  	[tilespmem:s5+$0x6F0] =	vst v0  }
0x16: {  	[tilespmem:s5+$0x680] =	vst v0  }
0x17: {  	[tilespmem:s5+$0x690] =	vst v0  }
0x18: {  	[tilespmem:s5+$0x6A0] =	vst v0  }
0x19: {  	[tilespmem:s5+$0x6B0] =	vst v0  }
0x1a: {  	[tilespmem:s5+$0x6C0] =	vst v0  }
0x1b: {  	[tilespmem:s5+$0x6D0] =	vst v0  }
0x1c: {  	[tilespmem:s5+$0x6E0] =	vst v0;
	s31 =	simm.s32 $0x680  }
0x1d: {  	v63 =	vimm.f32 $1.000000000e+00;
	[spmem:s2] =	stream.linear.scatter [tilespmem:s31], [sflag:$0x1], $0x1280, $0x38;
	[tilespmem:$0x2B80] =	vst v63  }
0x1e: {  	[tilespmem:$0x480] =	vst v63  }
0x1f: {  	[tilespmem:$0x490] =	vst v63  }
0x20: {  	[tilespmem:$0x4A0] =	vst v63  }
0x21: {  	[tilespmem:$0x4B0] =	vst v63  }
0x22: {  	[tilespmem:$0x4C0] =	vst v63  }
0x23: {  	[tilespmem:$0x500] =	vst v63  }
0x24: {  	[tilespmem:$0x510] =	vst v63  }
0x25: {  	[tilespmem:$0x520] =	vst v63  }
0x26: {  	[tilespmem:$0x530] =	vst v63  }
0x27: {  	[tilespmem:$0x540] =	vst v63  }
0x28: {  	[tilespmem:$0x580] =	vst v63  }
0x29: {  	[tilespmem:$0x590] =	vst v63  }
0x2a: {  	[tilespmem:$0x5A0] =	vst v63  }
0x2b: {  	[tilespmem:$0x5B0] =	vst v63  }
0x2c: {  	p0 =	sne.s32 s0, $0xF;
	[tilespmem:$0x5C0] =	vst v63  }
.Ltmp1:
0x2d: {  	[tilespmem:$0x600] =	vst v63;
	(pc) =	sbr.rel @p0 .LBB2_4-.Ltmp1, $4  }
0x2e: {  	[tilespmem:$0x610] =	vst v63  }
0x2f: {  	[tilespmem:$0x620] =	vst v63  }
0x30: {  	[tilespmem:$0x630] =	vst v63  }
0x31: {  	[tilespmem:$0x640] =	vst v63  }
0x32: {  	s4 =	simm.s32 $0x1  }
.Ltmp2:
0x33: {  	_ =	swait.ge [sflag:s4], $0x1280;
	(pc) =	sbr.rel .LBB2_5-.Ltmp2, $3  }
0x34: {  	[sflag:s4] =	ssyncset.done $0x0  }
0x35: {  	[sflag:s4] =	ssyncadd.s32 $0xFFFFED80  }
0x36: {  	[bflag:$0x0] =	sbarrier.arrive $0xFFFF;
	_ =	sdelay $0x1  }
.LBB2_4:
0x37: {  	s5 =	simm.s32 $0x1  }
0x38: {  	_ =	swait.ge [sflag:s5], $0x138  }
0x39: {  	[sflag:s5] =	ssyncset.done $0x0  }
0x3a: {  	[sflag:s5] =	ssyncadd.s32 $0xFFFFFEC8  }
0x3b: {  	_ =	swait.ge [sflag:s5], $0x138  }
0x3c: {  	[sflag:s5] =	ssyncset.done $0x0  }
0x3d: {  	[sflag:s5] =	ssyncadd.s32 $0xFFFFFEC8  }
0x3e: {  	_ =	swait.ge [sflag:s5], $0x1280  }
0x3f: {  	[sflag:s5] =	ssyncset.done $0x0  }
0x40: {  	[sflag:s5] =	ssyncadd.s32 $0xFFFFED80  }
0x41: {  	v0 =	vld [tilespmem:$0x0]  }
0x42: {  	v1 =	vld [tilespmem:$0x140]  }
0x43: {  	v2 =	vld [tilespmem:$0x10]  }
0x44: {  	v3 =	vld [tilespmem:$0x150]  }
0x45: {  	v4 =	vld [tilespmem:$0x20]  }
0x46: {  	v5 =	vld [tilespmem:$0x160]  }
0x47: {  	v6 =	vld [tilespmem:$0x30]  }
0x48: {  	v7 =	vld [tilespmem:$0x170]  }
0x49: {  	v8 =	vld [tilespmem:$0x40]  }
0x4a: {  	v9 =	vld [tilespmem:$0x180]  }
0x4b: {  	v10 =	vld [tilespmem:$0x50]  }
0x4c: {  	v11 =	vld [tilespmem:$0x190]  }
0x4d: {  	v12 =	vld [tilespmem:$0x60]  }
0x4e: {  	v13 =	vld [tilespmem:$0x1A0]  }
0x4f: {  	v14 =	vld [tilespmem:$0x70]  }
0x50: {  	v15 =	vld [tilespmem:$0x1B0]  }
0x51: {  	v16 =	vld [tilespmem:$0x80]  }
0x52: {  	v17 =	vld [tilespmem:$0x1C0]  }
0x53: {  	v18 =	vld [tilespmem:$0x90]  }
0x54: {  	v19 =	vld [tilespmem:$0x1D0]  }
0x55: {  	v20 =	vld [tilespmem:$0xA0]  }
0x56: {  	v21 =	vld [tilespmem:$0x1E0]  }
0x57: {  	v22 =	vld [tilespmem:$0xB0]  }
0x58: {  	v23 =	vld [tilespmem:$0x1F0]  }
0x59: {  	v24 =	vld [tilespmem:$0xC0];
	v0 =	vshll.u32 v0, $0x7;
	v2 =	vshll.u32 v2, $0x7  }
0x5a: {  	v47 =	vld [tilespmem:$0x200];
	v48 =	vshll.u32 v4, $0x7;
	v49 =	vshll.u32 v6, $0x7;
	v0 =	vadd.s32 v0, v1  }
0x5b: {  	v25 =	vld [tilespmem:$0xD0];
	v55 =	vshll.u32 v8, $0x7;
	v2 =	vadd.s32 v2, v3;
	v0 =	vadd.s32 $0x1, v0  }
0x5c: {  	v50 =	vld [tilespmem:$0x210];
	v58 =	vshll.u32 v10, $0x7;
	v52 =	vadd.s32 v49, v7;
	v2 =	vadd.s32 $0x1, v2;
	[tilespmem:$0x280] =	vst v0  }
0x5d: {  	v53 =	vld [tilespmem:$0xE0];
	v59 =	vshll.u32 v12, $0x7;
	v61 =	vadd.s32 v58, v11;
	v54 =	vadd.s32 $0x1, v52;
	[tilespmem:$0x290] =	vst v2  }
0x5e: {  	v60 =	vld [tilespmem:$0xF0];
	v28 =	vshll.u32 v16, $0x7;
	v62 =	vadd.s32 v59, v13;
	v12 =	vadd.s32 $0x1, v61;
	[tilespmem:$0x2B0] =	vst v54  }
0x5f: {  	v63 =	vld [tilespmem:$0x230];
	v29 =	vshll.u32 v18, $0x7;
	v31 =	vadd.s32 v28, v17;
	v13 =	vadd.s32 $0x1, v62;
	[tilespmem:$0x300] =	vst v12  }
0x60: {  	v56 =	vld [tilespmem:$0x220];
	v39 =	vshll.u32 v22, $0x7;
	v32 =	vadd.s32 v29, v19;
	v34 =	vadd.s32 $0x1, v31;
	[tilespmem:$0x310] =	vst v13  }
0x61: {  	v26 =	vld [tilespmem:$0x100];
	v40 =	vshll.u32 v24, $0x7;
	v42 =	vadd.s32 v39, v23;
	v35 =	vadd.s32 $0x1, v32;
	[tilespmem:$0x330] =	vst v34  }
0x62: {  	v33 =	vld [tilespmem:$0x110];
	v14 =	vshll.u32 v14, $0x7;
	v1 =	vadd.s32 v40, v47;
	v44 =	vadd.s32 $0x1, v42;
	[tilespmem:$0x340] =	vst v35  }
0x63: {  	v37 =	vld [tilespmem:$0x250];
	v51 =	vadd.s32 v48, v5;
	v49 =	vshll.u32 v60, $0x7;
	v1 =	vadd.s32 $0x1, v1;
	[tilespmem:$0x390] =	vst v44  }
0x64: {  	v30 =	vld [tilespmem:$0x240];
	v45 =	vshll.u32 v25, $0x7;
	v52 =	vadd.s32 v49, v63;
	v0 =	vadd.s32 $0x1, v51;
	[tilespmem:$0x3A0] =	vst v1  }
0x65: {  	v46 =	vld [tilespmem:$0x130];
	v57 =	vadd.s32 v55, v9;
	v48 =	vshll.u32 v53, $0x7;
	v2 =	vadd.s32 $0x1, v52;
	[tilespmem:$0x2A0] =	vst v0  }
0x66: {  	v47 =	vadd.s32 v45, v50;
	v50 =	vld [tilespmem:$0x270];
	v51 =	vadd.s32 v48, v56;
	v0 =	vadd.s32 $0x1, v57;
	[tilespmem:$0x400] =	vst v2  }
0x67: {  	v41 =	vld [tilespmem:$0x120];
	v27 =	vadd.s32 v14, v15;
	v55 =	vshll.u32 v33, $0x7;
	v53 =	vadd.s32 $0x1, v51;
	[tilespmem:$0x2C0] =	vst v0  }
0x68: {  	v43 =	vld [tilespmem:$0x260];
	v36 =	vshll.u32 v20, $0x7;
	v57 =	vadd.s32 v55, v37;
	v0 =	vadd.s32 $0x1, v27;
	[tilespmem:$0x3C0] =	vst v53  }
0x69: {  	vm0 =	vmmov $0xff;
	v38 =	vadd.s32 v36, v21;
	v1 =	vadd.s32 $0x1, v57;
	[tilespmem:$0x320] =	vst v0  }
0x6a: {  	v59 =	vshll.u32 v46, $0x7;
	v54 =	vshll.u32 v26, $0x7;
	v0 =	vadd.s32 $0x1, v38;
	[tilespmem:$0x420] =	vst v1  }
0x6b: {  	v56 =	vadd.s32 v54, v30;
	v61 =	vadd.s32 v59, v50;
	[tilespmem:$0x380] =	vst v0;
	v0 =	vadd.s32 $0x1, v47  }
0x6c: {  	v58 =	vshll.u32 v41, $0x7;
	v62 =	vadd.s32 $0x1, v61;
	[tilespmem:$0x3B0] =	vst v0;
	v0 =	vadd.s32 $0x1, v56  }
0x6d: {  	v60 =	vadd.s32 v58, v43;
	v63 =	vnsel vm0, $0x127FF, v62;
	[tilespmem:$0x410] =	vst v0  }
0x6e: {  	v0 =	vadd.s32 $0x1, v60;
	[tilespmem:$0x440] =	vst v63  }
0x6f: {  	s6 =	simm.s32 $0x50;
	[tilespmem:$0x430] =	vst v0  }
0x70: {  	s7 =	simm.s32 $0x280;
	s8 =	simm.s32 $0x480;
	[bflag:$0x0] =	sbarrier.arrive $0xFFFF  }
0x71: {  	[spmem:s4] =	stream.indirect.scatter.add.f32 [tilespmem:s8], [sflag:$0x1], $0x1, s7, s6, $0xb8;
	[tilespmem:$0x2B80] =	vst v63  }
0x72: {  	s25 =	simm.s32 $0x300;
	s26 =	simm.s32 $0x500  }
0x73: {  	[spmem:s4] =	stream.indirect.scatter.add.f32 [tilespmem:s26], [sflag:$0x1], $0x1, s25, s6, $0xb8;
	[tilespmem:$0x2B80] =	vst v63  }
0x74: {  	s28 =	simm.s32 $0x380;
	s29 =	simm.s32 $0x580  }
0x75: {  	[spmem:s4] =	stream.indirect.scatter.add.f32 [tilespmem:s29], [sflag:$0x1], $0x1, s28, s6, $0xb8;
	[tilespmem:$0x2B80] =	vst v63  }
0x76: {  	s30 =	simm.s32 $0x400;
	s31 =	simm.s32 $0x600  }
0x77: {  	[spmem:s4] =	stream.indirect.scatter.add.f32 [tilespmem:s31], [sflag:$0x1], $0x1, s30, s6, $0xb8;
	[tilespmem:$0x2B80] =	vst v63  }
0x78: {  	_ =	swait.ge [sflag:s5], $0x50  }
0x79: {  	[sflag:s5] =	ssyncset.done $0x0  }
0x7a: {  	[sflag:s5] =	ssyncadd.s32 $0xFFFFFFB0  }
0x7b: {  	_ =	swait.ge [sflag:s5], $0x50  }
0x7c: {  	[sflag:s5] =	ssyncset.done $0x0  }
0x7d: {  	[sflag:s5] =	ssyncadd.s32 $0xFFFFFFB0  }
0x7e: {  	_ =	swait.ge [sflag:s5], $0x50  }
0x7f: {  	[sflag:s5] =	ssyncset.done $0x0  }
0x80: {  	[sflag:s5] =	ssyncadd.s32 $0xFFFFFFB0  }
0x81: {  	_ =	swait.ge [sflag:s5], $0x50  }
0x82: {  	[sflag:s5] =	ssyncset.done $0x0  }
0x83: {  	[sflag:s5] =	ssyncadd.s32 $0xFFFFFFB0  }
.LBB2_5:
0x84: {  	s4 =	sshll.u32 s0, $0x6;
	[bflag:$0x0] =	sbarrier.arrive $0xFFFF  }
0x85: {  	s2 =	sshrl.u32 s2, $0x3;
	s31 =	simm.s32 $0x2;
	s4 =	sor.u32 $0x1C02, s4  }
0x86: {  	[hbm:s3], [sflag:s4] =	dma.local [spmem:s2], $0x250  }
0x87: {  	_ =	swait.ge [sflag:s31], $0x250  }
0x88: {  	[sflag:s31] =	ssyncset.done $0x0  }
0x89: {  	[sflag:s31] =	ssyncadd.s32 $0xFFFFFDB0  }
0x8a: {  	_ =	sfence.sel $0x180000  }
0x8b: {  	[bflag:$0x0] =	sbarrier.arrive $0xFFFF  }
0x8c: {  	p0 =	sne.s32 s0, $0x0;
	_ =	strace $0x90000047  }
0x8d: {  	s0 =	sadd.s32 @!p0 $0x100000, s1;
	[bflag:$0x2] =	sbarrier.arrive $0xFFFF  }
0x8e: {  	[sflag:s0] =	ssyncadd.tile.s32 @!p0 $0x1;
	_ =	shalt  }
.Lfunc_end2:
_tile_overlayer_lowered:
.L_overlay_start_2:
0x8f: {  	(tag) =	ssettag $0x2  }
0x90: {  	s0 =	rddreg [dreg:$0x0];
	s2 =	stileid.u32  }
0x91: {  	s1 =	rddreg [dreg:$0x1];
	p0 =	sne.s32 s2, $0x0  }
0x92: {  	s3 =	rddreg [dreg:$0x2];
	[bflag:$0x3] =	sbarrier.arrive $0xFFFF;
	s2 =	simm.s32 @!p0 $0x1C02  }
0x93: {  	[timem:s3], [sflag:s2] =	dma.local @!p0 [hbm:s0], s1  }
0x94: {  	s0 =	simm.s32 @!p0 $0x2  }
0x95: {  	_ =	swait.ge @!p0 [sflag:s0], s1  }
0x96: {  	s1 =	ssub.s32 @!p0 $0x0, s1;
	[sflag:s0] =	ssyncset.done @!p0 $0x0  }
0x97: {  	[sflag:s0] =	ssyncadd.s32 @!p0 s1  }
0x98: {  	[bflag:$0x3] =	sbarrier.arrive $0xFFFF  }
0x99: {  	_ =	shalt  }

</sc_bundles>
